<compile_context>
chip_gen: v7x
topology: tpu7x:2x2x1
jax: 0.10.2.dev20260603
libtpu: 0.0.44.dev20260713+nightly
codegen_flags: <defaults>
</compile_context>

<pallas_src>
import functools

import jax
import jax.numpy as jnp
from jax import lax
from jax.experimental import pallas as pl
from jax.experimental.pallas import tpu as pltpu
from jax.experimental.pallas import tpu_sc as plsc

N_NODES = 10000
D = 128
NPAD = 10240
NFLAT = NPAD * NPAD
NC = 2
NS = 16
NW = NC * NS
C_ROWS = 80
FIRE = 20
PAD_BASE = N_NODES * NPAD


def _scatter_ones(idx, a_ref):
    mesh = plsc.VectorSubcoreMesh(core_axis_name="c", subcore_axis_name="s")

    @functools.partial(
        pl.kernel,
        out_type=(),
        mesh=mesh,
        scratch_types=[
            pltpu.VMEM((C_ROWS, 128), jnp.int32),
            pltpu.VMEM((128,), jnp.float32),
            pltpu.SemaphoreType.DMA,
        ],
    )
    def scatter_kernel(idx_hbm, a_hbm, idxv, ones, sem):
        wid = lax.axis_index("s") * NC + lax.axis_index("c")
        for t in range(128 // 16):
            ones[pl.ds(t * 16, 16)] = jnp.ones((16,), jnp.float32)
        pltpu.sync_copy(idx_hbm.at[wid], idxv)

        def srow(j, _):
            cps = [
                pltpu.async_copy(ones, a_hbm.at[idxv.at[j * FIRE + t]], sem)
                for t in range(FIRE)
            ]
            for cp in cps:
                cp.wait()
            return ()

        lax.fori_loop(0, C_ROWS // FIRE, srow, ())

    scatter_kernel(idx, a_ref)


BLK = 256


def _sage_layer(a, x_bf, x_f32, ws_t, wn_t, b):

    def body(a_ref, xf_ref, xb_ref, ws_ref, wn_ref, b_ref, o_ref):
        ab = a_ref[...].reshape(BLK, NPAD)
        xb = xb_ref[...]
        msg = (
            jnp.dot(ab, xf_ref[...], preferred_element_type=jnp.float32) + xb
        )
        deg = jnp.sum(ab, axis=1, keepdims=True, dtype=jnp.float32) + 1.0
        o_ref[...] = (
            jnp.dot(xb, ws_ref[...], preferred_element_type=jnp.float32)
            + jnp.dot(msg / deg, wn_ref[...], preferred_element_type=jnp.float32)
            + b_ref[...]
        )

    return pl.pallas_call(
        body,
        grid=(NPAD // BLK,),
        in_specs=[
            pl.BlockSpec((BLK * NPAD,), lambda i: (i,)),
            pl.BlockSpec((NPAD, D), lambda i: (0, 0)),
            pl.BlockSpec((BLK, D), lambda i: (i, 0)),
            pl.BlockSpec((D, D), lambda i: (0, 0)),
            pl.BlockSpec((D, D), lambda i: (0, 0)),
            pl.BlockSpec((1, D), lambda i: (0, 0)),
        ],
        out_specs=pl.BlockSpec((BLK, D), lambda i: (i, 0)),
        out_shape=jax.ShapeDtypeStruct((NPAD, D), jnp.float32),
    )(a, x_bf, x_f32, ws_t, wn_t, b)


def kernel(h, src, dst, W_self_0, W_neigh_0, b_0, W_self_1, W_neigh_1, b_1):
    n = h.shape[0]
    src = src.astype(jnp.int32)
    dst = dst.astype(jnp.int32)
    e = src.size
    spread1 = PAD_BASE + jnp.arange(e, dtype=jnp.int32)
    spread2 = PAD_BASE + e + jnp.arange(e, dtype=jnp.int32)
    is_self = src == dst
    flat1 = jnp.where(is_self, spread1, dst * NPAD + src)
    flat2 = jnp.where(is_self, spread2, src * NPAD + dst)
    idx = jnp.concatenate([flat1, flat2])
    total = NW * C_ROWS * 128
    pad = PAD_BASE + 2 * e + jnp.arange(total - idx.size, dtype=jnp.int32)
    idx = jnp.concatenate([idx, pad]).reshape(NW, C_ROWS, 128)

    a_ref = jax.new_ref(jnp.zeros((NFLAT,), jnp.float32))
    _scatter_ones(idx, a_ref)
    a = a_ref[...]

    xp = jnp.pad(h, ((0, NPAD - n), (0, 0)))
    b0 = b_0.reshape(1, D)
    b1 = b_1.reshape(1, D)
    h1 = _sage_layer(a, xp, xp, W_self_0.T, W_neigh_0.T, b0)
    h2 = _sage_layer(a, h1, h1, W_self_1.T, W_neigh_1.T, b1)
    return h2[:n]

# --- scband reference (transcript-rebuilt; emitter-appended) ---
"""Pipeline reference for scband-graph-sage-40510131535944 (READ-ONLY COPY).

The authoritative reference and input builder live on the scoring server;
editing this copy changes nothing except your own understanding.
"""

import jax, jax.numpy as jnp
import numpy as np

N_NODES = 10000
D = 128
E_RAW = 160000


def setup_inputs(seed: int = 0) -> dict:
    key = jax.random.key(seed)
    ks = jax.random.split(key, 10)
    h = jax.random.normal(ks[0], (N_NODES, D), dtype=jnp.float32)
    src = jax.random.randint(ks[1], (E_RAW,), 0, N_NODES, dtype=jnp.int32)
    dst = jax.random.randint(ks[2], (E_RAW,), 0, N_NODES, dtype=jnp.int32)
    scale = 1.0 / np.sqrt(D)
    # SAGEConv('mean') params per layer: fc_self (no bias), fc_neigh (no bias), shared bias
    W_self_0 = jax.random.uniform(ks[3], (D, D), dtype=jnp.float32, minval=-scale, maxval=scale)
    W_neigh_0 = jax.random.uniform(ks[4], (D, D), dtype=jnp.float32, minval=-scale, maxval=scale)
    b_0 = jnp.zeros((D,), dtype=jnp.float32)
    W_self_1 = jax.random.uniform(ks[5], (D, D), dtype=jnp.float32, minval=-scale, maxval=scale)
    W_neigh_1 = jax.random.uniform(ks[6], (D, D), dtype=jnp.float32, minval=-scale, maxval=scale)
    b_1 = jnp.zeros((D,), dtype=jnp.float32)
    return {
        "h": h, "src": src, "dst": dst,
        "W_self_0": W_self_0, "W_neigh_0": W_neigh_0, "b_0": b_0,
        "W_self_1": W_self_1, "W_neigh_1": W_neigh_1, "b_1": b_1,
    }


def _build_graph(src, dst, n_nodes):
    # dgl.to_bidirected: union of (src,dst) and (dst,src), deduplicated
    s64 = src.astype(jnp.int64)
    d64 = dst.astype(jnp.int64)
    e1 = s64 * n_nodes + d64
    e2 = d64 * n_nodes + s64
    e_all = jnp.sort(jnp.concatenate([e1, e2]))
    keep = jnp.concatenate(
        [jnp.ones((1,), dtype=bool), e_all[1:] != e_all[:-1]]
    )
    s = (e_all // n_nodes).astype(jnp.int32)
    d = (e_all % n_nodes).astype(jnp.int32)
    # dgl.add_self_loop
    loops = jnp.arange(n_nodes, dtype=jnp.int32)
    s = jnp.concatenate([s, loops])
    d = jnp.concatenate([d, loops])
    w = jnp.concatenate([keep, jnp.ones((n_nodes,), dtype=bool)])
    return s, d, w


def reference(h, src, dst, W_self_0, W_neigh_0, b_0, W_self_1, W_neigh_1, b_1):
    n_nodes = h.shape[0]
    s, d, w = _build_graph(src, dst, n_nodes)
    wf = w.astype(h.dtype)
    deg = jnp.zeros((n_nodes,), dtype=h.dtype).at[d].add(wf)
    inv_deg = 1.0 / jnp.maximum(deg, 1.0)

    def sage_conv(x, W_self, W_neigh, b):
        # mean aggregation of in-neighbor features (copy_u -> mean)
        msg_sum = jnp.zeros((n_nodes, x.shape[1]), dtype=x.dtype).at[d].add(x[s] * wf[:, None])
        h_neigh = msg_sum * inv_deg[:, None]
        return x @ W_self.T + h_neigh @ W_neigh.T + b

    h1 = sage_conv(h, W_self_0, W_neigh_0, b_0)
    h2 = sage_conv(h1, W_self_1, W_neigh_1, b_1)
    return h2

if __name__ == "__main__":
    import jax
    _d = setup_inputs()
    print(jax.jit(kernel)(*tuple(_d.values())))

</pallas_src>

<mosaic_0001>
#map = affine_map<(d0, d1) -> (0, 0, 0)>
#map1 = affine_map<(d0, d1) -> (0)>
module attributes {stable_mosaic.version = 14 : i64} {
  func.func @new_body(%arg0: i32, %arg1: i32, %arg2: memref<32x80x128xi32, #tpu.memory_space<hbm>>, %arg3: memref<104857600xf32, #tpu.memory_space<hbm>>, %arg4: memref<104857600xf32, #tpu.memory_space<hbm>>, %arg5: memref<80x128xi32, #tpu.memory_space<vmem>>, %arg6: memref<128xf32, #tpu.memory_space<vmem>>, %arg7: memref<!tpu.dma_semaphore, #tpu.memory_space<semaphore_mem>>) attributes {dimension_semantics = [#tpu.dimension_semantics<core_parallel>, #tpu.dimension_semantics<subcore_parallel>], iteration_bounds = array<i64: 2, 16>, scalar_prefetch = 0 : i64, scratch_operands = 3 : i64, tpu.core_type = #tpu.core_type<sc_vector_subcore>, window_params = [{transform_indices = #map}, {transform_indices = #map1}, {transform_indices = #map1}]} {
    %mul3A = arith.constant 2 : i32
    %mul3A_0 = arith.muli %arg1, %mul3A : i32
    %add3A = arith.addi %mul3A_0, %arg0 : i32
    %broadcast_in_dim3A = arith.constant 1.000000e+00 : f32
    %broadcast_in_dim3A_1 = vector.broadcast %broadcast_in_dim3A : f32 to vector<16xf32>
    %swap3A = arith.constant 0 : index
    %swap3A_2 = tpu.vector_load %arg6[%swap3A] {strides = array<i32>} : memref<128xf32, #tpu.memory_space<vmem>>, vector<16xf32>,
    %swap3A_3 = vector.shape_cast %swap3A_2 : vector<16xf32> to vector<16xf32>
    %swap3A_4 = vector.shape_cast %broadcast_in_dim3A_1 : vector<16xf32> to vector<16xf32>
    tpu.vector_store %arg6[%swap3A], %swap3A_4 {strides = array<i32>} : memref<128xf32, #tpu.memory_space<vmem>>, vector<16xf32>,
    %broadcast_in_dim3A_5 = arith.constant 1.000000e+00 : f32
    %broadcast_in_dim3A_6 = vector.broadcast %broadcast_in_dim3A_5 : f32 to vector<16xf32>
    %swap3A_7 = arith.constant 16 : index
    %swap3A_8 = tpu.vector_load %arg6[%swap3A_7] {strides = array<i32>} : memref<128xf32, #tpu.memory_space<vmem>>, vector<16xf32>,
    %swap3A_9 = vector.shape_cast %swap3A_8 : vector<16xf32> to vector<16xf32>
    %swap3A_10 = vector.shape_cast %broadcast_in_dim3A_6 : vector<16xf32> to vector<16xf32>
    tpu.vector_store %arg6[%swap3A_7], %swap3A_10 {strides = array<i32>} : memref<128xf32, #tpu.memory_space<vmem>>, vector<16xf32>,
    %broadcast_in_dim3A_11 = arith.constant 1.000000e+00 : f32
    %broadcast_in_dim3A_12 = vector.broadcast %broadcast_in_dim3A_11 : f32 to vector<16xf32>
    %swap3A_13 = arith.constant 32 : index
    %swap3A_14 = tpu.vector_load %arg6[%swap3A_13] {strides = array<i32>} : memref<128xf32, #tpu.memory_space<vmem>>, vector<16xf32>,
    %swap3A_15 = vector.shape_cast %swap3A_14 : vector<16xf32> to vector<16xf32>
    %swap3A_16 = vector.shape_cast %broadcast_in_dim3A_12 : vector<16xf32> to vector<16xf32>
    tpu.vector_store %arg6[%swap3A_13], %swap3A_16 {strides = array<i32>} : memref<128xf32, #tpu.memory_space<vmem>>, vector<16xf32>,
    %broadcast_in_dim3A_17 = arith.constant 1.000000e+00 : f32
    %broadcast_in_dim3A_18 = vector.broadcast %broadcast_in_dim3A_17 : f32 to vector<16xf32>
    %swap3A_19 = arith.constant 48 : index
    %swap3A_20 = tpu.vector_load %arg6[%swap3A_19] {strides = array<i32>} : memref<128xf32, #tpu.memory_space<vmem>>, vector<16xf32>,
    %swap3A_21 = vector.shape_cast %swap3A_20 : vector<16xf32> to vector<16xf32>
    %swap3A_22 = vector.shape_cast %broadcast_in_dim3A_18 : vector<16xf32> to vector<16xf32>
    tpu.vector_store %arg6[%swap3A_19], %swap3A_22 {strides = array<i32>} : memref<128xf32, #tpu.memory_space<vmem>>, vector<16xf32>,
    %broadcast_in_dim3A_23 = arith.constant 1.000000e+00 : f32
    %broadcast_in_dim3A_24 = vector.broadcast %broadcast_in_dim3A_23 : f32 to vector<16xf32>
    %swap3A_25 = arith.constant 64 : index
    %swap3A_26 = tpu.vector_load %arg6[%swap3A_25] {strides = array<i32>} : memref<128xf32, #tpu.memory_space<vmem>>, vector<16xf32>,
    %swap3A_27 = vector.shape_cast %swap3A_26 : vector<16xf32> to vector<16xf32>
    %swap3A_28 = vector.shape_cast %broadcast_in_dim3A_24 : vector<16xf32> to vector<16xf32>
    tpu.vector_store %arg6[%swap3A_25], %swap3A_28 {strides = array<i32>} : memref<128xf32, #tpu.memory_space<vmem>>, vector<16xf32>,
    %broadcast_in_dim3A_29 = arith.constant 1.000000e+00 : f32
    %broadcast_in_dim3A_30 = vector.broadcast %broadcast_in_dim3A_29 : f32 to vector<16xf32>
    %swap3A_31 = arith.constant 80 : index
    %swap3A_32 = tpu.vector_load %arg6[%swap3A_31] {strides = array<i32>} : memref<128xf32, #tpu.memory_space<vmem>>, vector<16xf32>,
    %swap3A_33 = vector.shape_cast %swap3A_32 : vector<16xf32> to vector<16xf32>
    %swap3A_34 = vector.shape_cast %broadcast_in_dim3A_30 : vector<16xf32> to vector<16xf32>
    tpu.vector_store %arg6[%swap3A_31], %swap3A_34 {strides = array<i32>} : memref<128xf32, #tpu.memory_space<vmem>>, vector<16xf32>,
    %broadcast_in_dim3A_35 = arith.constant 1.000000e+00 : f32
    %broadcast_in_dim3A_36 = vector.broadcast %broadcast_in_dim3A_35 : f32 to vector<16xf32>
    %swap3A_37 = arith.constant 96 : index
    %swap3A_38 = tpu.vector_load %arg6[%swap3A_37] {strides = array<i32>} : memref<128xf32, #tpu.memory_space<vmem>>, vector<16xf32>,
    %swap3A_39 = vector.shape_cast %swap3A_38 : vector<16xf32> to vector<16xf32>
    %swap3A_40 = vector.shape_cast %broadcast_in_dim3A_36 : vector<16xf32> to vector<16xf32>
    tpu.vector_store %arg6[%swap3A_37], %swap3A_40 {strides = array<i32>} : memref<128xf32, #tpu.memory_space<vmem>>, vector<16xf32>,
    %broadcast_in_dim3A_41 = arith.constant 1.000000e+00 : f32
    %broadcast_in_dim3A_42 = vector.broadcast %broadcast_in_dim3A_41 : f32 to vector<16xf32>
    %swap3A_43 = arith.constant 112 : index
    %swap3A_44 = tpu.vector_load %arg6[%swap3A_43] {strides = array<i32>} : memref<128xf32, #tpu.memory_space<vmem>>, vector<16xf32>,
    %swap3A_45 = vector.shape_cast %swap3A_44 : vector<16xf32> to vector<16xf32>
    %swap3A_46 = vector.shape_cast %broadcast_in_dim3A_42 : vector<16xf32> to vector<16xf32>
    tpu.vector_store %arg6[%swap3A_43], %swap3A_46 {strides = array<i32>} : memref<128xf32, #tpu.memory_space<vmem>>, vector<16xf32>,
    "tpu.region"() ({
      %run_scoped3A = tpu.sem_alloc : memref<!tpu.dma_semaphore, #tpu.memory_space<semaphore_mem>>
      %dma_start3A = arith.constant 0 : i32
      %dma_start3A_51 = arith.constant 0 : i32
      %dma_start3A_52 = tpu.memref_slice %arg2[%add3A, %dma_start3A, %dma_start3A_51] : memref<32x80x128xi32, #tpu.memory_space<hbm>> -> memref<1x80x128xi32, #tpu.memory_space<hbm>>
      %dma_start3A_53 = tpu.memref_squeeze %dma_start3A_52 : memref<1x80x128xi32, #tpu.memory_space<hbm>> -> memref<80x128xi32, #tpu.memory_space<hbm>>
      %dma_start3A_54 = arith.constant 0 : i32
      %dma_start3A_55 = arith.constant 0 : i32
      %dma_start3A_56 = tpu.memref_slice %arg2[%add3A, %dma_start3A_54, %dma_start3A_55] : memref<32x80x128xi32, #tpu.memory_space<hbm>> -> memref<1x80x128xi32, #tpu.memory_space<hbm>>
      %dma_start3A_57 = tpu.memref_squeeze %dma_start3A_56 : memref<1x80x128xi32, #tpu.memory_space<hbm>> -> memref<80x128xi32, #tpu.memory_space<hbm>>
      tpu.enqueue_dma source(%dma_start3A_57 : memref<80x128xi32, #tpu.memory_space<hbm>>) target(%arg5 : memref<80x128xi32, #tpu.memory_space<vmem>>) target_semaphore(%run_scoped3A : memref<!tpu.dma_semaphore, #tpu.memory_space<semaphore_mem>>)
      %dma_wait3A = arith.constant 0 : i32
      %dma_wait3A_58 = arith.constant 0 : i32
      %dma_wait3A_59 = tpu.memref_slice %arg2[%add3A, %dma_wait3A, %dma_wait3A_58] : memref<32x80x128xi32, #tpu.memory_space<hbm>> -> memref<1x80x128xi32, #tpu.memory_space<hbm>>
      %dma_wait3A_60 = tpu.memref_squeeze %dma_wait3A_59 : memref<1x80x128xi32, #tpu.memory_space<hbm>> -> memref<80x128xi32, #tpu.memory_space<hbm>>
      %dma_wait3A_61 = arith.constant 0 : i32
      %dma_wait3A_62 = arith.constant 0 : i32
      %dma_wait3A_63 = tpu.memref_slice %arg2[%add3A, %dma_wait3A_61, %dma_wait3A_62] : memref<32x80x128xi32, #tpu.memory_space<hbm>> -> memref<1x80x128xi32, #tpu.memory_space<hbm>>
      %dma_wait3A_64 = tpu.memref_squeeze %dma_wait3A_63 : memref<1x80x128xi32, #tpu.memory_space<hbm>> -> memref<80x128xi32, #tpu.memory_space<hbm>>
      tpu.wait_dma2 semaphore(%run_scoped3A : memref<!tpu.dma_semaphore, #tpu.memory_space<semaphore_mem>>) src(%dma_wait3A_64 : memref<80x128xi32, #tpu.memory_space<hbm>>) dst(%arg5 : memref<80x128xi32, #tpu.memory_space<vmem>>)
      tpu.yield
    }) : () -> ()
    %scan3A = arith.constant 0 : i32
    %scan3A_47 = arith.constant 4 : i32
    %scan3A_48 = arith.addi %scan3A, %scan3A_47 : i32
    %scan3A_49 = arith.constant 1 : i32
    scf.for %scan3A_51 = %scan3A to %scan3A_48 step %scan3A_49  : i32 {
      %mul3A_52 = arith.constant 20 : i32
      %mul3A_53 = arith.muli %scan3A_51, %mul3A_52 : i32
      %add3A_54 = arith.constant 0 : i32
      %add3A_55 = arith.addi %mul3A_53, %add3A_54 : i32
      %dma_start3A = arith.constant 0 : i32
      %dma_start3A_56 = tpu.memref_slice %arg5[%add3A_55, %dma_start3A] : memref<80x128xi32, #tpu.memory_space<vmem>> -> memref<1x128xi32, #tpu.memory_space<vmem>>
      %dma_start3A_57 = tpu.memref_squeeze %dma_start3A_56 : memref<1x128xi32, #tpu.memory_space<vmem>> -> memref<128xi32, #tpu.memory_space<vmem>>
      %dma_start3A_58 = arith.constant 0 : i32
      %dma_start3A_59 = tpu.memref_slice %arg3[%dma_start3A_58] : memref<104857600xf32, #tpu.memory_space<hbm>> -> memref<104857600xf32, #tpu.memory_space<hbm>>
      tpu.enqueue_indirect_dma source(%arg6 : memref<128xf32, #tpu.memory_space<vmem>>) target(%dma_start3A_59 : memref<104857600xf32, #tpu.memory_space<hbm>>) offsets(%dma_start3A_57 : memref<128xi32, #tpu.memory_space<vmem>>) semaphore(%arg7 : memref<!tpu.dma_semaphore, #tpu.memory_space<semaphore_mem>>)
      %mul3A_60 = arith.constant 20 : i32
      %mul3A_61 = arith.muli %scan3A_51, %mul3A_60 : i32
      %add3A_62 = arith.constant 1 : i32
      %add3A_63 = arith.addi %mul3A_61, %add3A_62 : i32
      %dma_start3A_64 = arith.constant 0 : i32
      %dma_start3A_65 = tpu.memref_slice %arg5[%add3A_63, %dma_start3A_64] : memref<80x128xi32, #tpu.memory_space<vmem>> -> memref<1x128xi32, #tpu.memory_space<vmem>>
      %dma_start3A_66 = tpu.memref_squeeze %dma_start3A_65 : memref<1x128xi32, #tpu.memory_space<vmem>> -> memref<128xi32, #tpu.memory_space<vmem>>
      %dma_start3A_67 = arith.constant 0 : i32
      %dma_start3A_68 = tpu.memref_slice %arg3[%dma_start3A_67] : memref<104857600xf32, #tpu.memory_space<hbm>> -> memref<104857600xf32, #tpu.memory_space<hbm>>
      tpu.enqueue_indirect_dma source(%arg6 : memref<128xf32, #tpu.memory_space<vmem>>) target(%dma_start3A_68 : memref<104857600xf32, #tpu.memory_space<hbm>>) offsets(%dma_start3A_66 : memref<128xi32, #tpu.memory_space<vmem>>) semaphore(%arg7 : memref<!tpu.dma_semaphore, #tpu.memory_space<semaphore_mem>>)
      %mul3A_69 = arith.constant 20 : i32
      %mul3A_70 = arith.muli %scan3A_51, %mul3A_69 : i32
      %add3A_71 = arith.constant 2 : i32
      %add3A_72 = arith.addi %mul3A_70, %add3A_71 : i32
      %dma_start3A_73 = arith.constant 0 : i32
      %dma_start3A_74 = tpu.memref_slice %arg5[%add3A_72, %dma_start3A_73] : memref<80x128xi32, #tpu.memory_space<vmem>> -> memref<1x128xi32, #tpu.memory_space<vmem>>
      %dma_start3A_75 = tpu.memref_squeeze %dma_start3A_74 : memref<1x128xi32, #tpu.memory_space<vmem>> -> memref<128xi32, #tpu.memory_space<vmem>>
      %dma_start3A_76 = arith.constant 0 : i32
      %dma_start3A_77 = tpu.memref_slice %arg3[%dma_start3A_76] : memref<104857600xf32, #tpu.memory_space<hbm>> -> memref<104857600xf32, #tpu.memory_space<hbm>>
      tpu.enqueue_indirect_dma source(%arg6 : memref<128xf32, #tpu.memory_space<vmem>>) target(%dma_start3A_77 : memref<104857600xf32, #tpu.memory_space<hbm>>) offsets(%dma_start3A_75 : memref<128xi32, #tpu.memory_space<vmem>>) semaphore(%arg7 : memref<!tpu.dma_semaphore, #tpu.memory_space<semaphore_mem>>)
      %mul3A_78 = arith.constant 20 : i32
      %mul3A_79 = arith.muli %scan3A_51, %mul3A_78 : i32
      %add3A_80 = arith.constant 3 : i32
      %add3A_81 = arith.addi %mul3A_79, %add3A_80 : i32
      %dma_start3A_82 = arith.constant 0 : i32
      %dma_start3A_83 = tpu.memref_slice %arg5[%add3A_81, %dma_start3A_82] : memref<80x128xi32, #tpu.memory_space<vmem>> -> memref<1x128xi32, #tpu.memory_space<vmem>>
      %dma_start3A_84 = tpu.memref_squeeze %dma_start3A_83 : memref<1x128xi32, #tpu.memory_space<vmem>> -> memref<128xi32, #tpu.memory_space<vmem>>
      %dma_start3A_85 = arith.constant 0 : i32
      %dma_start3A_86 = tpu.memref_slice %arg3[%dma_start3A_85] : memref<104857600xf32, #tpu.memory_space<hbm>> -> memref<104857600xf32, #tpu.memory_space<hbm>>
      tpu.enqueue_indirect_dma source(%arg6 : memref<128xf32, #tpu.memory_space<vmem>>) target(%dma_start3A_86 : memref<104857600xf32, #tpu.memory_space<hbm>>) offsets(%dma_start3A_84 : memref<128xi32, #tpu.memory_space<vmem>>) semaphore(%arg7 : memref<!tpu.dma_semaphore, #tpu.memory_space<semaphore_mem>>)
      %mul3A_87 = arith.constant 20 : i32
      %mul3A_88 = arith.muli %scan3A_51, %mul3A_87 : i32
      %add3A_89 = arith.constant 4 : i32
      %add3A_90 = arith.addi %mul3A_88, %add3A_89 : i32
      %dma_start3A_91 = arith.constant 0 : i32
      %dma_start3A_92 = tpu.memref_slice %arg5[%add3A_90, %dma_start3A_91] : memref<80x128xi32, #tpu.memory_space<vmem>> -> memref<1x128xi32, #tpu.memory_space<vmem>>
      %dma_start3A_93 = tpu.memref_squeeze %dma_start3A_92 : memref<1x128xi32, #tpu.memory_space<vmem>> -> memref<128xi32, #tpu.memory_space<vmem>>
      %dma_start3A_94 = arith.constant 0 : i32
      %dma_start3A_95 = tpu.memref_slice %arg3[%dma_start3A_94] : memref<104857600xf32, #tpu.memory_space<hbm>> -> memref<104857600xf32, #tpu.memory_space<hbm>>
      tpu.enqueue_indirect_dma source(%arg6 : memref<128xf32, #tpu.memory_space<vmem>>) target(%dma_start3A_95 : memref<104857600xf32, #tpu.memory_space<hbm>>) offsets(%dma_start3A_93 : memref<128xi32, #tpu.memory_space<vmem>>) semaphore(%arg7 : memref<!tpu.dma_semaphore, #tpu.memory_space<semaphore_mem>>)
      %mul3A_96 = arith.constant 20 : i32
      %mul3A_97 = arith.muli %scan3A_51, %mul3A_96 : i32
      %add3A_98 = arith.constant 5 : i32
      %add3A_99 = arith.addi %mul3A_97, %add3A_98 : i32
      %dma_start3A_100 = arith.constant 0 : i32
      %dma_start3A_101 = tpu.memref_slice %arg5[%add3A_99, %dma_start3A_100] : memref<80x128xi32, #tpu.memory_space<vmem>> -> memref<1x128xi32, #tpu.memory_space<vmem>>
      %dma_start3A_102 = tpu.memref_squeeze %dma_start3A_101 : memref<1x128xi32, #tpu.memory_space<vmem>> -> memref<128xi32, #tpu.memory_space<vmem>>
      %dma_start3A_103 = arith.constant 0 : i32
      %dma_start3A_104 = tpu.memref_slice %arg3[%dma_start3A_103] : memref<104857600xf32, #tpu.memory_space<hbm>> -> memref<104857600xf32, #tpu.memory_space<hbm>>
      tpu.enqueue_indirect_dma source(%arg6 : memref<128xf32, #tpu.memory_space<vmem>>) target(%dma_start3A_104 : memref<104857600xf32, #tpu.memory_space<hbm>>) offsets(%dma_start3A_102 : memref<128xi32, #tpu.memory_space<vmem>>) semaphore(%arg7 : memref<!tpu.dma_semaphore, #tpu.memory_space<semaphore_mem>>)
      %mul3A_105 = arith.constant 20 : i32
      %mul3A_106 = arith.muli %scan3A_51, %mul3A_105 : i32
      %add3A_107 = arith.constant 6 : i32
      %add3A_108 = arith.addi %mul3A_106, %add3A_107 : i32
      %dma_start3A_109 = arith.constant 0 : i32
      %dma_start3A_110 = tpu.memref_slice %arg5[%add3A_108, %dma_start3A_109] : memref<80x128xi32, #tpu.memory_space<vmem>> -> memref<1x128xi32, #tpu.memory_space<vmem>>
      %dma_start3A_111 = tpu.memref_squeeze %dma_start3A_110 : memref<1x128xi32, #tpu.memory_space<vmem>> -> memref<128xi32, #tpu.memory_space<vmem>>
      %dma_start3A_112 = arith.constant 0 : i32
      %dma_start3A_113 = tpu.memref_slice %arg3[%dma_start3A_112] : memref<104857600xf32, #tpu.memory_space<hbm>> -> memref<104857600xf32, #tpu.memory_space<hbm>>
      tpu.enqueue_indirect_dma source(%arg6 : memref<128xf32, #tpu.memory_space<vmem>>) target(%dma_start3A_113 : memref<104857600xf32, #tpu.memory_space<hbm>>) offsets(%dma_start3A_111 : memref<128xi32, #tpu.memory_space<vmem>>) semaphore(%arg7 : memref<!tpu.dma_semaphore, #tpu.memory_space<semaphore_mem>>)
      %mul3A_114 = arith.constant 20 : i32
      %mul3A_115 = arith.muli %scan3A_51, %mul3A_114 : i32
      %add3A_116 = arith.constant 7 : i32
      %add3A_117 = arith.addi %mul3A_115, %add3A_116 : i32
      %dma_start3A_118 = arith.constant 0 : i32
      %dma_start3A_119 = tpu.memref_slice %arg5[%add3A_117, %dma_start3A_118] : memref<80x128xi32, #tpu.memory_space<vmem>> -> memref<1x128xi32, #tpu.memory_space<vmem>>
      %dma_start3A_120 = tpu.memref_squeeze %dma_start3A_119 : memref<1x128xi32, #tpu.memory_space<vmem>> -> memref<128xi32, #tpu.memory_space<vmem>>
      %dma_start3A_121 = arith.constant 0 : i32
      %dma_start3A_122 = tpu.memref_slice %arg3[%dma_start3A_121] : memref<104857600xf32, #tpu.memory_space<hbm>> -> memref<104857600xf32, #tpu.memory_space<hbm>>
      tpu.enqueue_indirect_dma source(%arg6 : memref<128xf32, #tpu.memory_space<vmem>>) target(%dma_start3A_122 : memref<104857600xf32, #tpu.memory_space<hbm>>) offsets(%dma_start3A_120 : memref<128xi32, #tpu.memory_space<vmem>>) semaphore(%arg7 : memref<!tpu.dma_semaphore, #tpu.memory_space<semaphore_mem>>)
      %mul3A_123 = arith.constant 20 : i32
      %mul3A_124 = arith.muli %scan3A_51, %mul3A_123 : i32
      %add3A_125 = arith.constant 8 : i32
      %add3A_126 = arith.addi %mul3A_124, %add3A_125 : i32
      %dma_start3A_127 = arith.constant 0 : i32
      %dma_start3A_128 = tpu.memref_slice %arg5[%add3A_126, %dma_start3A_127] : memref<80x128xi32, #tpu.memory_space<vmem>> -> memref<1x128xi32, #tpu.memory_space<vmem>>
      %dma_start3A_129 = tpu.memref_squeeze %dma_start3A_128 : memref<1x128xi32, #tpu.memory_space<vmem>> -> memref<128xi32, #tpu.memory_space<vmem>>
      %dma_start3A_130 = arith.constant 0 : i32
      %dma_start3A_131 = tpu.memref_slice %arg3[%dma_start3A_130] : memref<104857600xf32, #tpu.memory_space<hbm>> -> memref<104857600xf32, #tpu.memory_space<hbm>>
      tpu.enqueue_indirect_dma source(%arg6 : memref<128xf32, #tpu.memory_space<vmem>>) target(%dma_start3A_131 : memref<104857600xf32, #tpu.memory_space<hbm>>) offsets(%dma_start3A_129 : memref<128xi32, #tpu.memory_space<vmem>>) semaphore(%arg7 : memref<!tpu.dma_semaphore, #tpu.memory_space<semaphore_mem>>)
      %mul3A_132 = arith.constant 20 : i32
      %mul3A_133 = arith.muli %scan3A_51, %mul3A_132 : i32
      %add3A_134 = arith.constant 9 : i32
      %add3A_135 = arith.addi %mul3A_133, %add3A_134 : i32
      %dma_start3A_136 = arith.constant 0 : i32
      %dma_start3A_137 = tpu.memref_slice %arg5[%add3A_135, %dma_start3A_136] : memref<80x128xi32, #tpu.memory_space<vmem>> -> memref<1x128xi32, #tpu.memory_space<vmem>>
      %dma_start3A_138 = tpu.memref_squeeze %dma_start3A_137 : memref<1x128xi32, #tpu.memory_space<vmem>> -> memref<128xi32, #tpu.memory_space<vmem>>
      %dma_start3A_139 = arith.constant 0 : i32
      %dma_start3A_140 = tpu.memref_slice %arg3[%dma_start3A_139] : memref<104857600xf32, #tpu.memory_space<hbm>> -> memref<104857600xf32, #tpu.memory_space<hbm>>
      tpu.enqueue_indirect_dma source(%arg6 : memref<128xf32, #tpu.memory_space<vmem>>) target(%dma_start3A_140 : memref<104857600xf32, #tpu.memory_space<hbm>>) offsets(%dma_start3A_138 : memref<128xi32, #tpu.memory_space<vmem>>) semaphore(%arg7 : memref<!tpu.dma_semaphore, #tpu.memory_space<semaphore_mem>>)
      %mul3A_141 = arith.constant 20 : i32
      %mul3A_142 = arith.muli %scan3A_51, %mul3A_141 : i32
      %add3A_143 = arith.constant 10 : i32
      %add3A_144 = arith.addi %mul3A_142, %add3A_143 : i32
      %dma_start3A_145 = arith.constant 0 : i32
      %dma_start3A_146 = tpu.memref_slice %arg5[%add3A_144, %dma_start3A_145] : memref<80x128xi32, #tpu.memory_space<vmem>> -> memref<1x128xi32, #tpu.memory_space<vmem>>
      %dma_start3A_147 = tpu.memref_squeeze %dma_start3A_146 : memref<1x128xi32, #tpu.memory_space<vmem>> -> memref<128xi32, #tpu.memory_space<vmem>>
      %dma_start3A_148 = arith.constant 0 : i32
      %dma_start3A_149 = tpu.memref_slice %arg3[%dma_start3A_148] : memref<104857600xf32, #tpu.memory_space<hbm>> -> memref<104857600xf32, #tpu.memory_space<hbm>>
      tpu.enqueue_indirect_dma source(%arg6 : memref<128xf32, #tpu.memory_space<vmem>>) target(%dma_start3A_149 : memref<104857600xf32, #tpu.memory_space<hbm>>) offsets(%dma_start3A_147 : memref<128xi32, #tpu.memory_space<vmem>>) semaphore(%arg7 : memref<!tpu.dma_semaphore, #tpu.memory_space<semaphore_mem>>)
      %mul3A_150 = arith.constant 20 : i32
      %mul3A_151 = arith.muli %scan3A_51, %mul3A_150 : i32
      %add3A_152 = arith.constant 11 : i32
      %add3A_153 = arith.addi %mul3A_151, %add3A_152 : i32
      %dma_start3A_154 = arith.constant 0 : i32
      %dma_start3A_155 = tpu.memref_slice %arg5[%add3A_153, %dma_start3A_154] : memref<80x128xi32, #tpu.memory_space<vmem>> -> memref<1x128xi32, #tpu.memory_space<vmem>>
      %dma_start3A_156 = tpu.memref_squeeze %dma_start3A_155 : memref<1x128xi32, #tpu.memory_space<vmem>> -> memref<128xi32, #tpu.memory_space<vmem>>
      %dma_start3A_157 = arith.constant 0 : i32
      %dma_start3A_158 = tpu.memref_slice %arg3[%dma_start3A_157] : memref<104857600xf32, #tpu.memory_space<hbm>> -> memref<104857600xf32, #tpu.memory_space<hbm>>
      tpu.enqueue_indirect_dma source(%arg6 : memref<128xf32, #tpu.memory_space<vmem>>) target(%dma_start3A_158 : memref<104857600xf32, #tpu.memory_space<hbm>>) offsets(%dma_start3A_156 : memref<128xi32, #tpu.memory_space<vmem>>) semaphore(%arg7 : memref<!tpu.dma_semaphore, #tpu.memory_space<semaphore_mem>>)
      %mul3A_159 = arith.constant 20 : i32
      %mul3A_160 = arith.muli %scan3A_51, %mul3A_159 : i32
      %add3A_161 = arith.constant 12 : i32
      %add3A_162 = arith.addi %mul3A_160, %add3A_161 : i32
      %dma_start3A_163 = arith.constant 0 : i32
      %dma_start3A_164 = tpu.memref_slice %arg5[%add3A_162, %dma_start3A_163] : memref<80x128xi32, #tpu.memory_space<vmem>> -> memref<1x128xi32, #tpu.memory_space<vmem>>
      %dma_start3A_165 = tpu.memref_squeeze %dma_start3A_164 : memref<1x128xi32, #tpu.memory_space<vmem>> -> memref<128xi32, #tpu.memory_space<vmem>>
      %dma_start3A_166 = arith.constant 0 : i32
      %dma_start3A_167 = tpu.memref_slice %arg3[%dma_start3A_166] : memref<104857600xf32, #tpu.memory_space<hbm>> -> memref<104857600xf32, #tpu.memory_space<hbm>>
      tpu.enqueue_indirect_dma source(%arg6 : memref<128xf32, #tpu.memory_space<vmem>>) target(%dma_start3A_167 : memref<104857600xf32, #tpu.memory_space<hbm>>) offsets(%dma_start3A_165 : memref<128xi32, #tpu.memory_space<vmem>>) semaphore(%arg7 : memref<!tpu.dma_semaphore, #tpu.memory_space<semaphore_mem>>)
      %mul3A_168 = arith.constant 20 : i32
      %mul3A_169 = arith.muli %scan3A_51, %mul3A_168 : i32
      %add3A_170 = arith.constant 13 : i32
      %add3A_171 = arith.addi %mul3A_169, %add3A_170 : i32
      %dma_start3A_172 = arith.constant 0 : i32
      %dma_start3A_173 = tpu.memref_slice %arg5[%add3A_171, %dma_start3A_172] : memref<80x128xi32, #tpu.memory_space<vmem>> -> memref<1x128xi32, #tpu.memory_space<vmem>>
      %dma_start3A_174 = tpu.memref_squeeze %dma_start3A_173 : memref<1x128xi32, #tpu.memory_space<vmem>> -> memref<128xi32, #tpu.memory_space<vmem>>
      %dma_start3A_175 = arith.constant 0 : i32
      %dma_start3A_176 = tpu.memref_slice %arg3[%dma_start3A_175] : memref<104857600xf32, #tpu.memory_space<hbm>> -> memref<104857600xf32, #tpu.memory_space<hbm>>
      tpu.enqueue_indirect_dma source(%arg6 : memref<128xf32, #tpu.memory_space<vmem>>) target(%dma_start3A_176 : memref<104857600xf32, #tpu.memory_space<hbm>>) offsets(%dma_start3A_174 : memref<128xi32, #tpu.memory_space<vmem>>) semaphore(%arg7 : memref<!tpu.dma_semaphore, #tpu.memory_space<semaphore_mem>>)
      %mul3A_177 = arith.constant 20 : i32
      %mul3A_178 = arith.muli %scan3A_51, %mul3A_177 : i32
      %add3A_179 = arith.constant 14 : i32
      %add3A_180 = arith.addi %mul3A_178, %add3A_179 : i32
      %dma_start3A_181 = arith.constant 0 : i32
      %dma_start3A_182 = tpu.memref_slice %arg5[%add3A_180, %dma_start3A_181] : memref<80x128xi32, #tpu.memory_space<vmem>> -> memref<1x128xi32, #tpu.memory_space<vmem>>
      %dma_start3A_183 = tpu.memref_squeeze %dma_start3A_182 : memref<1x128xi32, #tpu.memory_space<vmem>> -> memref<128xi32, #tpu.memory_space<vmem>>
      %dma_start3A_184 = arith.constant 0 : i32
      %dma_start3A_185 = tpu.memref_slice %arg3[%dma_start3A_184] : memref<104857600xf32, #tpu.memory_space<hbm>> -> memref<104857600xf32, #tpu.memory_space<hbm>>
      tpu.enqueue_indirect_dma source(%arg6 : memref<128xf32, #tpu.memory_space<vmem>>) target(%dma_start3A_185 : memref<104857600xf32, #tpu.memory_space<hbm>>) offsets(%dma_start3A_183 : memref<128xi32, #tpu.memory_space<vmem>>) semaphore(%arg7 : memref<!tpu.dma_semaphore, #tpu.memory_space<semaphore_mem>>)
      %mul3A_186 = arith.constant 20 : i32
      %mul3A_187 = arith.muli %scan3A_51, %mul3A_186 : i32
      %add3A_188 = arith.constant 15 : i32
      %add3A_189 = arith.addi %mul3A_187, %add3A_188 : i32
      %dma_start3A_190 = arith.constant 0 : i32
      %dma_start3A_191 = tpu.memref_slice %arg5[%add3A_189, %dma_start3A_190] : memref<80x128xi32, #tpu.memory_space<vmem>> -> memref<1x128xi32, #tpu.memory_space<vmem>>
      %dma_start3A_192 = tpu.memref_squeeze %dma_start3A_191 : memref<1x128xi32, #tpu.memory_space<vmem>> -> memref<128xi32, #tpu.memory_space<vmem>>
      %dma_start3A_193 = arith.constant 0 : i32
      %dma_start3A_194 = tpu.memref_slice %arg3[%dma_start3A_193] : memref<104857600xf32, #tpu.memory_space<hbm>> -> memref<104857600xf32, #tpu.memory_space<hbm>>
      tpu.enqueue_indirect_dma source(%arg6 : memref<128xf32, #tpu.memory_space<vmem>>) target(%dma_start3A_194 : memref<104857600xf32, #tpu.memory_space<hbm>>) offsets(%dma_start3A_192 : memref<128xi32, #tpu.memory_space<vmem>>) semaphore(%arg7 : memref<!tpu.dma_semaphore, #tpu.memory_space<semaphore_mem>>)
      %mul3A_195 = arith.constant 20 : i32
      %mul3A_196 = arith.muli %scan3A_51, %mul3A_195 : i32
      %add3A_197 = arith.constant 16 : i32
      %add3A_198 = arith.addi %mul3A_196, %add3A_197 : i32
      %dma_start3A_199 = arith.constant 0 : i32
      %dma_start3A_200 = tpu.memref_slice %arg5[%add3A_198, %dma_start3A_199] : memref<80x128xi32, #tpu.memory_space<vmem>> -> memref<1x128xi32, #tpu.memory_space<vmem>>
      %dma_start3A_201 = tpu.memref_squeeze %dma_start3A_200 : memref<1x128xi32, #tpu.memory_space<vmem>> -> memref<128xi32, #tpu.memory_space<vmem>>
      %dma_start3A_202 = arith.constant 0 : i32
      %dma_start3A_203 = tpu.memref_slice %arg3[%dma_start3A_202] : memref<104857600xf32, #tpu.memory_space<hbm>> -> memref<104857600xf32, #tpu.memory_space<hbm>>
      tpu.enqueue_indirect_dma source(%arg6 : memref<128xf32, #tpu.memory_space<vmem>>) target(%dma_start3A_203 : memref<104857600xf32, #tpu.memory_space<hbm>>) offsets(%dma_start3A_201 : memref<128xi32, #tpu.memory_space<vmem>>) semaphore(%arg7 : memref<!tpu.dma_semaphore, #tpu.memory_space<semaphore_mem>>)
      %mul3A_204 = arith.constant 20 : i32
      %mul3A_205 = arith.muli %scan3A_51, %mul3A_204 : i32
      %add3A_206 = arith.constant 17 : i32
      %add3A_207 = arith.addi %mul3A_205, %add3A_206 : i32
      %dma_start3A_208 = arith.constant 0 : i32
      %dma_start3A_209 = tpu.memref_slice %arg5[%add3A_207, %dma_start3A_208] : memref<80x128xi32, #tpu.memory_space<vmem>> -> memref<1x128xi32, #tpu.memory_space<vmem>>
      %dma_start3A_210 = tpu.memref_squeeze %dma_start3A_209 : memref<1x128xi32, #tpu.memory_space<vmem>> -> memref<128xi32, #tpu.memory_space<vmem>>
      %dma_start3A_211 = arith.constant 0 : i32
      %dma_start3A_212 = tpu.memref_slice %arg3[%dma_start3A_211] : memref<104857600xf32, #tpu.memory_space<hbm>> -> memref<104857600xf32, #tpu.memory_space<hbm>>
      tpu.enqueue_indirect_dma source(%arg6 : memref<128xf32, #tpu.memory_space<vmem>>) target(%dma_start3A_212 : memref<104857600xf32, #tpu.memory_space<hbm>>) offsets(%dma_start3A_210 : memref<128xi32, #tpu.memory_space<vmem>>) semaphore(%arg7 : memref<!tpu.dma_semaphore, #tpu.memory_space<semaphore_mem>>)
      %mul3A_213 = arith.constant 20 : i32
      %mul3A_214 = arith.muli %scan3A_51, %mul3A_213 : i32
      %add3A_215 = arith.constant 18 : i32
      %add3A_216 = arith.addi %mul3A_214, %add3A_215 : i32
      %dma_start3A_217 = arith.constant 0 : i32
      %dma_start3A_218 = tpu.memref_slice %arg5[%add3A_216, %dma_start3A_217] : memref<80x128xi32, #tpu.memory_space<vmem>> -> memref<1x128xi32, #tpu.memory_space<vmem>>
      %dma_start3A_219 = tpu.memref_squeeze %dma_start3A_218 : memref<1x128xi32, #tpu.memory_space<vmem>> -> memref<128xi32, #tpu.memory_space<vmem>>
      %dma_start3A_220 = arith.constant 0 : i32
      %dma_start3A_221 = tpu.memref_slice %arg3[%dma_start3A_220] : memref<104857600xf32, #tpu.memory_space<hbm>> -> memref<104857600xf32, #tpu.memory_space<hbm>>
      tpu.enqueue_indirect_dma source(%arg6 : memref<128xf32, #tpu.memory_space<vmem>>) target(%dma_start3A_221 : memref<104857600xf32, #tpu.memory_space<hbm>>) offsets(%dma_start3A_219 : memref<128xi32, #tpu.memory_space<vmem>>) semaphore(%arg7 : memref<!tpu.dma_semaphore, #tpu.memory_space<semaphore_mem>>)
      %mul3A_222 = arith.constant 20 : i32
      %mul3A_223 = arith.muli %scan3A_51, %mul3A_222 : i32
      %add3A_224 = arith.constant 19 : i32
      %add3A_225 = arith.addi %mul3A_223, %add3A_224 : i32
      %dma_start3A_226 = arith.constant 0 : i32
      %dma_start3A_227 = tpu.memref_slice %arg5[%add3A_225, %dma_start3A_226] : memref<80x128xi32, #tpu.memory_space<vmem>> -> memref<1x128xi32, #tpu.memory_space<vmem>>
      %dma_start3A_228 = tpu.memref_squeeze %dma_start3A_227 : memref<1x128xi32, #tpu.memory_space<vmem>> -> memref<128xi32, #tpu.memory_space<vmem>>
      %dma_start3A_229 = arith.constant 0 : i32
      %dma_start3A_230 = tpu.memref_slice %arg3[%dma_start3A_229] : memref<104857600xf32, #tpu.memory_space<hbm>> -> memref<104857600xf32, #tpu.memory_space<hbm>>
      tpu.enqueue_indirect_dma source(%arg6 : memref<128xf32, #tpu.memory_space<vmem>>) target(%dma_start3A_230 : memref<104857600xf32, #tpu.memory_space<hbm>>) offsets(%dma_start3A_228 : memref<128xi32, #tpu.memory_space<vmem>>) semaphore(%arg7 : memref<!tpu.dma_semaphore, #tpu.memory_space<semaphore_mem>>)
      %dma_wait3A = arith.constant 0 : i32
      %dma_wait3A_231 = tpu.memref_slice %arg5[%add3A_55, %dma_wait3A] : memref<80x128xi32, #tpu.memory_space<vmem>> -> memref<1x128xi32, #tpu.memory_space<vmem>>
      %dma_wait3A_232 = tpu.memref_squeeze %dma_wait3A_231 : memref<1x128xi32, #tpu.memory_space<vmem>> -> memref<128xi32, #tpu.memory_space<vmem>>
      %dma_wait3A_233 = arith.constant 0 : i32
      %dma_wait3A_234 = tpu.memref_slice %arg3[%dma_wait3A_233] : memref<104857600xf32, #tpu.memory_space<hbm>> -> memref<104857600xf32, #tpu.memory_space<hbm>>
      tpu.wait_indirect_dma semaphore(%arg7 : memref<!tpu.dma_semaphore, #tpu.memory_space<semaphore_mem>>) src(%arg6 : memref<128xf32, #tpu.memory_space<vmem>>) dst(%dma_wait3A_234 : memref<104857600xf32, #tpu.memory_space<hbm>>)
      %dma_wait3A_235 = arith.constant 0 : i32
      %dma_wait3A_236 = tpu.memref_slice %arg5[%add3A_63, %dma_wait3A_235] : memref<80x128xi32, #tpu.memory_space<vmem>> -> memref<1x128xi32, #tpu.memory_space<vmem>>
      %dma_wait3A_237 = tpu.memref_squeeze %dma_wait3A_236 : memref<1x128xi32, #tpu.memory_space<vmem>> -> memref<128xi32, #tpu.memory_space<vmem>>
      %dma_wait3A_238 = arith.constant 0 : i32
      %dma_wait3A_239 = tpu.memref_slice %arg3[%dma_wait3A_238] : memref<104857600xf32, #tpu.memory_space<hbm>> -> memref<104857600xf32, #tpu.memory_space<hbm>>
      tpu.wait_indirect_dma semaphore(%arg7 : memref<!tpu.dma_semaphore, #tpu.memory_space<semaphore_mem>>) src(%arg6 : memref<128xf32, #tpu.memory_space<vmem>>) dst(%dma_wait3A_239 : memref<104857600xf32, #tpu.memory_space<hbm>>)
      %dma_wait3A_240 = arith.constant 0 : i32
      %dma_wait3A_241 = tpu.memref_slice %arg5[%add3A_72, %dma_wait3A_240] : memref<80x128xi32, #tpu.memory_space<vmem>> -> memref<1x128xi32, #tpu.memory_space<vmem>>
      %dma_wait3A_242 = tpu.memref_squeeze %dma_wait3A_241 : memref<1x128xi32, #tpu.memory_space<vmem>> -> memref<128xi32, #tpu.memory_space<vmem>>
      %dma_wait3A_243 = arith.constant 0 : i32
      %dma_wait3A_244 = tpu.memref_slice %arg3[%dma_wait3A_243] : memref<104857600xf32, #tpu.memory_space<hbm>> -> memref<104857600xf32, #tpu.memory_space<hbm>>
      tpu.wait_indirect_dma semaphore(%arg7 : memref<!tpu.dma_semaphore, #tpu.memory_space<semaphore_mem>>) src(%arg6 : memref<128xf32, #tpu.memory_space<vmem>>) dst(%dma_wait3A_244 : memref<104857600xf32, #tpu.memory_space<hbm>>)
      %dma_wait3A_245 = arith.constant 0 : i32
      %dma_wait3A_246 = tpu.memref_slice %arg5[%add3A_81, %dma_wait3A_245] : memref<80x128xi32, #tpu.memory_space<vmem>> -> memref<1x128xi32, #tpu.memory_space<vmem>>
      %dma_wait3A_247 = tpu.memref_squeeze %dma_wait3A_246 : memref<1x128xi32, #tpu.memory_space<vmem>> -> memref<128xi32, #tpu.memory_space<vmem>>
      %dma_wait3A_248 = arith.constant 0 : i32
      %dma_wait3A_249 = tpu.memref_slice %arg3[%dma_wait3A_248] : memref<104857600xf32, #tpu.memory_space<hbm>> -> memref<104857600xf32, #tpu.memory_space<hbm>>
      tpu.wait_indirect_dma semaphore(%arg7 : memref<!tpu.dma_semaphore, #tpu.memory_space<semaphore_mem>>) src(%arg6 : memref<128xf32, #tpu.memory_space<vmem>>) dst(%dma_wait3A_249 : memref<104857600xf32, #tpu.memory_space<hbm>>)
      %dma_wait3A_250 = arith.constant 0 : i32
      %dma_wait3A_251 = tpu.memref_slice %arg5[%add3A_90, %dma_wait3A_250] : memref<80x128xi32, #tpu.memory_space<vmem>> -> memref<1x128xi32, #tpu.memory_space<vmem>>
      %dma_wait3A_252 = tpu.memref_squeeze %dma_wait3A_251 : memref<1x128xi32, #tpu.memory_space<vmem>> -> memref<128xi32, #tpu.memory_space<vmem>>
      %dma_wait3A_253 = arith.constant 0 : i32
      %dma_wait3A_254 = tpu.memref_slice %arg3[%dma_wait3A_253] : memref<104857600xf32, #tpu.memory_space<hbm>> -> memref<104857600xf32, #tpu.memory_space<hbm>>
      tpu.wait_indirect_dma semaphore(%arg7 : memref<!tpu.dma_semaphore, #tpu.memory_space<semaphore_mem>>) src(%arg6 : memref<128xf32, #tpu.memory_space<vmem>>) dst(%dma_wait3A_254 : memref<104857600xf32, #tpu.memory_space<hbm>>)
      %dma_wait3A_255 = arith.constant 0 : i32
      %dma_wait3A_256 = tpu.memref_slice %arg5[%add3A_99, %dma_wait3A_255] : memref<80x128xi32, #tpu.memory_space<vmem>> -> memref<1x128xi32, #tpu.memory_space<vmem>>
      %dma_wait3A_257 = tpu.memref_squeeze %dma_wait3A_256 : memref<1x128xi32, #tpu.memory_space<vmem>> -> memref<128xi32, #tpu.memory_space<vmem>>
      %dma_wait3A_258 = arith.constant 0 : i32
      %dma_wait3A_259 = tpu.memref_slice %arg3[%dma_wait3A_258] : memref<104857600xf32, #tpu.memory_space<hbm>> -> memref<104857600xf32, #tpu.memory_space<hbm>>
      tpu.wait_indirect_dma semaphore(%arg7 : memref<!tpu.dma_semaphore, #tpu.memory_space<semaphore_mem>>) src(%arg6 : memref<128xf32, #tpu.memory_space<vmem>>) dst(%dma_wait3A_259 : memref<104857600xf32, #tpu.memory_space<hbm>>)
      %dma_wait3A_260 = arith.constant 0 : i32
      %dma_wait3A_261 = tpu.memref_slice %arg5[%add3A_108, %dma_wait3A_260] : memref<80x128xi32, #tpu.memory_space<vmem>> -> memref<1x128xi32, #tpu.memory_space<vmem>>
      %dma_wait3A_262 = tpu.memref_squeeze %dma_wait3A_261 : memref<1x128xi32, #tpu.memory_space<vmem>> -> memref<128xi32, #tpu.memory_space<vmem>>
      %dma_wait3A_263 = arith.constant 0 : i32
      %dma_wait3A_264 = tpu.memref_slice %arg3[%dma_wait3A_263] : memref<104857600xf32, #tpu.memory_space<hbm>> -> memref<104857600xf32, #tpu.memory_space<hbm>>
      tpu.wait_indirect_dma semaphore(%arg7 : memref<!tpu.dma_semaphore, #tpu.memory_space<semaphore_mem>>) src(%arg6 : memref<128xf32, #tpu.memory_space<vmem>>) dst(%dma_wait3A_264 : memref<104857600xf32, #tpu.memory_space<hbm>>)
      %dma_wait3A_265 = arith.constant 0 : i32
      %dma_wait3A_266 = tpu.memref_slice %arg5[%add3A_117, %dma_wait3A_265] : memref<80x128xi32, #tpu.memory_space<vmem>> -> memref<1x128xi32, #tpu.memory_space<vmem>>
      %dma_wait3A_267 = tpu.memref_squeeze %dma_wait3A_266 : memref<1x128xi32, #tpu.memory_space<vmem>> -> memref<128xi32, #tpu.memory_space<vmem>>
      %dma_wait3A_268 = arith.constant 0 : i32
      %dma_wait3A_269 = tpu.memref_slice %arg3[%dma_wait3A_268] : memref<104857600xf32, #tpu.memory_space<hbm>> -> memref<104857600xf32, #tpu.memory_space<hbm>>
      tpu.wait_indirect_dma semaphore(%arg7 : memref<!tpu.dma_semaphore, #tpu.memory_space<semaphore_mem>>) src(%arg6 : memref<128xf32, #tpu.memory_space<vmem>>) dst(%dma_wait3A_269 : memref<104857600xf32, #tpu.memory_space<hbm>>)
      %dma_wait3A_270 = arith.constant 0 : i32
      %dma_wait3A_271 = tpu.memref_slice %arg5[%add3A_126, %dma_wait3A_270] : memref<80x128xi32, #tpu.memory_space<vmem>> -> memref<1x128xi32, #tpu.memory_space<vmem>>
      %dma_wait3A_272 = tpu.memref_squeeze %dma_wait3A_271 : memref<1x128xi32, #tpu.memory_space<vmem>> -> memref<128xi32, #tpu.memory_space<vmem>>
      %dma_wait3A_273 = arith.constant 0 : i32
      %dma_wait3A_274 = tpu.memref_slice %arg3[%dma_wait3A_273] : memref<104857600xf32, #tpu.memory_space<hbm>> -> memref<104857600xf32, #tpu.memory_space<hbm>>
      tpu.wait_indirect_dma semaphore(%arg7 : memref<!tpu.dma_semaphore, #tpu.memory_space<semaphore_mem>>) src(%arg6 : memref<128xf32, #tpu.memory_space<vmem>>) dst(%dma_wait3A_274 : memref<104857600xf32, #tpu.memory_space<hbm>>)
      %dma_wait3A_275 = arith.constant 0 : i32
      %dma_wait3A_276 = tpu.memref_slice %arg5[%add3A_135, %dma_wait3A_275] : memref<80x128xi32, #tpu.memory_space<vmem>> -> memref<1x128xi32, #tpu.memory_space<vmem>>
      %dma_wait3A_277 = tpu.memref_squeeze %dma_wait3A_276 : memref<1x128xi32, #tpu.memory_space<vmem>> -> memref<128xi32, #tpu.memory_space<vmem>>
      %dma_wait3A_278 = arith.constant 0 : i32
      %dma_wait3A_279 = tpu.memref_slice %arg3[%dma_wait3A_278] : memref<104857600xf32, #tpu.memory_space<hbm>> -> memref<104857600xf32, #tpu.memory_space<hbm>>
      tpu.wait_indirect_dma semaphore(%arg7 : memref<!tpu.dma_semaphore, #tpu.memory_space<semaphore_mem>>) src(%arg6 : memref<128xf32, #tpu.memory_space<vmem>>) dst(%dma_wait3A_279 : memref<104857600xf32, #tpu.memory_space<hbm>>)
      %dma_wait3A_280 = arith.constant 0 : i32
      %dma_wait3A_281 = tpu.memref_slice %arg5[%add3A_144, %dma_wait3A_280] : memref<80x128xi32, #tpu.memory_space<vmem>> -> memref<1x128xi32, #tpu.memory_space<vmem>>
      %dma_wait3A_282 = tpu.memref_squeeze %dma_wait3A_281 : memref<1x128xi32, #tpu.memory_space<vmem>> -> memref<128xi32, #tpu.memory_space<vmem>>
      %dma_wait3A_283 = arith.constant 0 : i32
      %dma_wait3A_284 = tpu.memref_slice %arg3[%dma_wait3A_283] : memref<104857600xf32, #tpu.memory_space<hbm>> -> memref<104857600xf32, #tpu.memory_space<hbm>>
      tpu.wait_indirect_dma semaphore(%arg7 : memref<!tpu.dma_semaphore, #tpu.memory_space<semaphore_mem>>) src(%arg6 : memref<128xf32, #tpu.memory_space<vmem>>) dst(%dma_wait3A_284 : memref<104857600xf32, #tpu.memory_space<hbm>>)
      %dma_wait3A_285 = arith.constant 0 : i32
      %dma_wait3A_286 = tpu.memref_slice %arg5[%add3A_153, %dma_wait3A_285] : memref<80x128xi32, #tpu.memory_space<vmem>> -> memref<1x128xi32, #tpu.memory_space<vmem>>
      %dma_wait3A_287 = tpu.memref_squeeze %dma_wait3A_286 : memref<1x128xi32, #tpu.memory_space<vmem>> -> memref<128xi32, #tpu.memory_space<vmem>>
      %dma_wait3A_288 = arith.constant 0 : i32
      %dma_wait3A_289 = tpu.memref_slice %arg3[%dma_wait3A_288] : memref<104857600xf32, #tpu.memory_space<hbm>> -> memref<104857600xf32, #tpu.memory_space<hbm>>
      tpu.wait_indirect_dma semaphore(%arg7 : memref<!tpu.dma_semaphore, #tpu.memory_space<semaphore_mem>>) src(%arg6 : memref<128xf32, #tpu.memory_space<vmem>>) dst(%dma_wait3A_289 : memref<104857600xf32, #tpu.memory_space<hbm>>)
      %dma_wait3A_290 = arith.constant 0 : i32
      %dma_wait3A_291 = tpu.memref_slice %arg5[%add3A_162, %dma_wait3A_290] : memref<80x128xi32, #tpu.memory_space<vmem>> -> memref<1x128xi32, #tpu.memory_space<vmem>>
      %dma_wait3A_292 = tpu.memref_squeeze %dma_wait3A_291 : memref<1x128xi32, #tpu.memory_space<vmem>> -> memref<128xi32, #tpu.memory_space<vmem>>
      %dma_wait3A_293 = arith.constant 0 : i32
      %dma_wait3A_294 = tpu.memref_slice %arg3[%dma_wait3A_293] : memref<104857600xf32, #tpu.memory_space<hbm>> -> memref<104857600xf32, #tpu.memory_space<hbm>>
      tpu.wait_indirect_dma semaphore(%arg7 : memref<!tpu.dma_semaphore, #tpu.memory_space<semaphore_mem>>) src(%arg6 : memref<128xf32, #tpu.memory_space<vmem>>) dst(%dma_wait3A_294 : memref<104857600xf32, #tpu.memory_space<hbm>>)
      %dma_wait3A_295 = arith.constant 0 : i32
      %dma_wait3A_296 = tpu.memref_slice %arg5[%add3A_171, %dma_wait3A_295] : memref<80x128xi32, #tpu.memory_space<vmem>> -> memref<1x128xi32, #tpu.memory_space<vmem>>
      %dma_wait3A_297 = tpu.memref_squeeze %dma_wait3A_296 : memref<1x128xi32, #tpu.memory_space<vmem>> -> memref<128xi32, #tpu.memory_space<vmem>>
      %dma_wait3A_298 = arith.constant 0 : i32
      %dma_wait3A_299 = tpu.memref_slice %arg3[%dma_wait3A_298] : memref<104857600xf32, #tpu.memory_space<hbm>> -> memref<104857600xf32, #tpu.memory_space<hbm>>
      tpu.wait_indirect_dma semaphore(%arg7 : memref<!tpu.dma_semaphore, #tpu.memory_space<semaphore_mem>>) src(%arg6 : memref<128xf32, #tpu.memory_space<vmem>>) dst(%dma_wait3A_299 : memref<104857600xf32, #tpu.memory_space<hbm>>)
      %dma_wait3A_300 = arith.constant 0 : i32
      %dma_wait3A_301 = tpu.memref_slice %arg5[%add3A_180, %dma_wait3A_300] : memref<80x128xi32, #tpu.memory_space<vmem>> -> memref<1x128xi32, #tpu.memory_space<vmem>>
      %dma_wait3A_302 = tpu.memref_squeeze %dma_wait3A_301 : memref<1x128xi32, #tpu.memory_space<vmem>> -> memref<128xi32, #tpu.memory_space<vmem>>
      %dma_wait3A_303 = arith.constant 0 : i32
      %dma_wait3A_304 = tpu.memref_slice %arg3[%dma_wait3A_303] : memref<104857600xf32, #tpu.memory_space<hbm>> -> memref<104857600xf32, #tpu.memory_space<hbm>>
      tpu.wait_indirect_dma semaphore(%arg7 : memref<!tpu.dma_semaphore, #tpu.memory_space<semaphore_mem>>) src(%arg6 : memref<128xf32, #tpu.memory_space<vmem>>) dst(%dma_wait3A_304 : memref<104857600xf32, #tpu.memory_space<hbm>>)
      %dma_wait3A_305 = arith.constant 0 : i32
      %dma_wait3A_306 = tpu.memref_slice %arg5[%add3A_189, %dma_wait3A_305] : memref<80x128xi32, #tpu.memory_space<vmem>> -> memref<1x128xi32, #tpu.memory_space<vmem>>
      %dma_wait3A_307 = tpu.memref_squeeze %dma_wait3A_306 : memref<1x128xi32, #tpu.memory_space<vmem>> -> memref<128xi32, #tpu.memory_space<vmem>>
      %dma_wait3A_308 = arith.constant 0 : i32
      %dma_wait3A_309 = tpu.memref_slice %arg3[%dma_wait3A_308] : memref<104857600xf32, #tpu.memory_space<hbm>> -> memref<104857600xf32, #tpu.memory_space<hbm>>
      tpu.wait_indirect_dma semaphore(%arg7 : memref<!tpu.dma_semaphore, #tpu.memory_space<semaphore_mem>>) src(%arg6 : memref<128xf32, #tpu.memory_space<vmem>>) dst(%dma_wait3A_309 : memref<104857600xf32, #tpu.memory_space<hbm>>)
      %dma_wait3A_310 = arith.constant 0 : i32
      %dma_wait3A_311 = tpu.memref_slice %arg5[%add3A_198, %dma_wait3A_310] : memref<80x128xi32, #tpu.memory_space<vmem>> -> memref<1x128xi32, #tpu.memory_space<vmem>>
      %dma_wait3A_312 = tpu.memref_squeeze %dma_wait3A_311 : memref<1x128xi32, #tpu.memory_space<vmem>> -> memref<128xi32, #tpu.memory_space<vmem>>
      %dma_wait3A_313 = arith.constant 0 : i32
      %dma_wait3A_314 = tpu.memref_slice %arg3[%dma_wait3A_313] : memref<104857600xf32, #tpu.memory_space<hbm>> -> memref<104857600xf32, #tpu.memory_space<hbm>>
      tpu.wait_indirect_dma semaphore(%arg7 : memref<!tpu.dma_semaphore, #tpu.memory_space<semaphore_mem>>) src(%arg6 : memref<128xf32, #tpu.memory_space<vmem>>) dst(%dma_wait3A_314 : memref<104857600xf32, #tpu.memory_space<hbm>>)
      %dma_wait3A_315 = arith.constant 0 : i32
      %dma_wait3A_316 = tpu.memref_slice %arg5[%add3A_207, %dma_wait3A_315] : memref<80x128xi32, #tpu.memory_space<vmem>> -> memref<1x128xi32, #tpu.memory_space<vmem>>
      %dma_wait3A_317 = tpu.memref_squeeze %dma_wait3A_316 : memref<1x128xi32, #tpu.memory_space<vmem>> -> memref<128xi32, #tpu.memory_space<vmem>>
      %dma_wait3A_318 = arith.constant 0 : i32
      %dma_wait3A_319 = tpu.memref_slice %arg3[%dma_wait3A_318] : memref<104857600xf32, #tpu.memory_space<hbm>> -> memref<104857600xf32, #tpu.memory_space<hbm>>
      tpu.wait_indirect_dma semaphore(%arg7 : memref<!tpu.dma_semaphore, #tpu.memory_space<semaphore_mem>>) src(%arg6 : memref<128xf32, #tpu.memory_space<vmem>>) dst(%dma_wait3A_319 : memref<104857600xf32, #tpu.memory_space<hbm>>)
      %dma_wait3A_320 = arith.constant 0 : i32
      %dma_wait3A_321 = tpu.memref_slice %arg5[%add3A_216, %dma_wait3A_320] : memref<80x128xi32, #tpu.memory_space<vmem>> -> memref<1x128xi32, #tpu.memory_space<vmem>>
      %dma_wait3A_322 = tpu.memref_squeeze %dma_wait3A_321 : memref<1x128xi32, #tpu.memory_space<vmem>> -> memref<128xi32, #tpu.memory_space<vmem>>
      %dma_wait3A_323 = arith.constant 0 : i32
      %dma_wait3A_324 = tpu.memref_slice %arg3[%dma_wait3A_323] : memref<104857600xf32, #tpu.memory_space<hbm>> -> memref<104857600xf32, #tpu.memory_space<hbm>>
      tpu.wait_indirect_dma semaphore(%arg7 : memref<!tpu.dma_semaphore, #tpu.memory_space<semaphore_mem>>) src(%arg6 : memref<128xf32, #tpu.memory_space<vmem>>) dst(%dma_wait3A_324 : memref<104857600xf32, #tpu.memory_space<hbm>>)
      %dma_wait3A_325 = arith.constant 0 : i32
      %dma_wait3A_326 = tpu.memref_slice %arg5[%add3A_225, %dma_wait3A_325] : memref<80x128xi32, #tpu.memory_space<vmem>> -> memref<1x128xi32, #tpu.memory_space<vmem>>
      %dma_wait3A_327 = tpu.memref_squeeze %dma_wait3A_326 : memref<1x128xi32, #tpu.memory_space<vmem>> -> memref<128xi32, #tpu.memory_space<vmem>>
      %dma_wait3A_328 = arith.constant 0 : i32
      %dma_wait3A_329 = tpu.memref_slice %arg3[%dma_wait3A_328] : memref<104857600xf32, #tpu.memory_space<hbm>> -> memref<104857600xf32, #tpu.memory_space<hbm>>
      tpu.wait_indirect_dma semaphore(%arg7 : memref<!tpu.dma_semaphore, #tpu.memory_space<semaphore_mem>>) src(%arg6 : memref<128xf32, #tpu.memory_space<vmem>>) dst(%dma_wait3A_329 : memref<104857600xf32, #tpu.memory_space<hbm>>)
    }
    %scan3A_50 = arith.constant 4 : i32
    return
  }
}

module attributes {stable_mosaic.version = 14 : i64} {
  func.func @body(%arg0: i32, %arg1: memref<2621440xf32, #tpu.memory_space<vmem>>, %arg2: memref<10240x128xf32, #tpu.memory_space<vmem>>, %arg3: memref<256x128xf32, #tpu.memory_space<vmem>>, %arg4: memref<128x128xf32, #tpu.memory_space<vmem>>, %arg5: memref<128x128xf32, #tpu.memory_space<vmem>>, %arg6: memref<1x128xf32, #tpu.memory_space<vmem>>, %arg7: memref<256x128xf32, #tpu.memory_space<vmem>>) attributes {dimension_semantics = [#tpu.dimension_semantics<arbitrary>], iteration_bounds = array<i64: 40>, scalar_prefetch = 0 : i64, scratch_operands = 0 : i64, tpu.core_type = #tpu.core_type<tc>, window_params = [{transform_indices = @transform_0, window_bounds = array<i64: 2621440>}, {pipeline_mode = #tpu.pipeline_mode<synchronous>, transform_indices = @transform_1, window_bounds = array<i64: 10240, 128>}, {transform_indices = @transform_2, window_bounds = array<i64: 256, 128>}, {pipeline_mode = #tpu.pipeline_mode<synchronous>, transform_indices = @transform_3, window_bounds = array<i64: 128, 128>}, {pipeline_mode = #tpu.pipeline_mode<synchronous>, transform_indices = @transform_4, window_bounds = array<i64: 128, 128>}, {pipeline_mode = #tpu.pipeline_mode<synchronous>, transform_indices = @transform_5, window_bounds = array<i64: 1, 128>}, {transform_indices = @transform_6, window_bounds = array<i64: 256, 128>}]} {
    %get3A = arith.constant 0 : index
    %get3A_0 = vector.load %arg1[%get3A] : memref<2621440xf32, #tpu.memory_space<vmem>>, vector<2621440xf32>
    %reshape3A = vector.shape_cast %get3A_0 : vector<2621440xf32> to vector<256x10240xf32>
    %get3A_1 = arith.constant 0 : index
    %get3A_2 = arith.constant 0 : index
    %get3A_3 = vector.load %arg3[%get3A_1, %get3A_2] : memref<256x128xf32, #tpu.memory_space<vmem>>, vector<256x128xf32>
    %get3A_4 = arith.constant 0 : index
    %get3A_5 = arith.constant 0 : index
    %get3A_6 = vector.load %arg2[%get3A_4, %get3A_5] : memref<10240x128xf32, #tpu.memory_space<vmem>>, vector<10240x128xf32>
    %dot_general3A = arith.constant dense<0.000000e+00> : vector<256x128xf32>
    %dot_general3A_7 = tpu.matmul %reshape3A, %get3A_6, %dot_general3A {dimension_numbers = #tpu.dot_dimension_numbers<[1], [0], [0], [1], [0, 0, 1, 1], [], []>, transpose_lhs_hint = false} : vector<256x10240xf32>, vector<10240x128xf32>, vector<256x128xf32> -> vector<256x128xf32>
    %add3A = arith.addf %dot_general3A_7, %get3A_3 : vector<256x128xf32>
    %reduce_sum3A = arith.constant dense<0.000000e+00> : vector<256xf32>
    %reduce_sum3A_8 = vector.multi_reduction <add>, %reshape3A, %reduce_sum3A [1] : vector<256x10240xf32> to vector<256xf32>
    %broadcast_in_dim3A = vector.shape_cast %reduce_sum3A_8 : vector<256xf32> to vector<256x1xf32>
    %add3A_9 = arith.constant 1.000000e+00 : f32
    %add3A_10 = vector.broadcast %add3A_9 : f32 to vector<256x1xf32>
    %add3A_11 = arith.addf %broadcast_in_dim3A, %add3A_10 : vector<256x1xf32>
    %get3A_12 = arith.constant 0 : index
    %get3A_13 = arith.constant 0 : index
    %get3A_14 = vector.load %arg4[%get3A_12, %get3A_13] : memref<128x128xf32, #tpu.memory_space<vmem>>, vector<128x128xf32>
    %dot_general3A_15 = arith.constant dense<0.000000e+00> : vector<256x128xf32>
    %dot_general3A_16 = tpu.matmul %get3A_3, %get3A_14, %dot_general3A_15 {dimension_numbers = #tpu.dot_dimension_numbers<[1], [0], [0], [1], [0, 0, 1, 1], [], []>, transpose_lhs_hint = false} : vector<256x128xf32>, vector<128x128xf32>, vector<256x128xf32> -> vector<256x128xf32>
    %div3A = vector.broadcast %add3A_11 : vector<256x1xf32> to vector<256x128xf32>
    %div3A_17 = arith.divf %add3A, %div3A : vector<256x128xf32>
    %get3A_18 = arith.constant 0 : index
    %get3A_19 = arith.constant 0 : index
    %get3A_20 = vector.load %arg5[%get3A_18, %get3A_19] : memref<128x128xf32, #tpu.memory_space<vmem>>, vector<128x128xf32>
    %dot_general3A_21 = arith.constant dense<0.000000e+00> : vector<256x128xf32>
    %dot_general3A_22 = tpu.matmul %div3A_17, %get3A_20, %dot_general3A_21 {dimension_numbers = #tpu.dot_dimension_numbers<[1], [0], [0], [1], [0, 0, 1, 1], [], []>, transpose_lhs_hint = false} : vector<256x128xf32>, vector<128x128xf32>, vector<256x128xf32> -> vector<256x128xf32>
    %add3A_23 = arith.addf %dot_general3A_16, %dot_general3A_22 : vector<256x128xf32>
    %get3A_24 = arith.constant 0 : index
    %get3A_25 = arith.constant 0 : index
    %get3A_26 = vector.load %arg6[%get3A_24, %get3A_25] : memref<1x128xf32, #tpu.memory_space<vmem>>, vector<1x128xf32>
    %add3A_27 = vector.broadcast %get3A_26 : vector<1x128xf32> to vector<256x128xf32>
    %add3A_28 = arith.addf %add3A_23, %add3A_27 : vector<256x128xf32>
    %swap3A = arith.constant 0 : index
    %swap3A_29 = arith.constant 0 : index
    %swap3A_30 = vector.load %arg7[%swap3A, %swap3A_29] : memref<256x128xf32, #tpu.memory_space<vmem>>, vector<256x128xf32>
    tpu.vector_store %arg7[%swap3A, %swap3A_29], %add3A_28 {strides = array<i32>} : memref<256x128xf32, #tpu.memory_space<vmem>>, vector<256x128xf32>,
    return
  }
  func.func @transform_0(%arg0: i32) -> i32 {
    %c0_i32 = arith.constant 0 : i32
    return %arg0 : i32
  }
  func.func @transform_1(%arg0: i32) -> (i32, i32) {
    %c0_i32 = arith.constant 0 : i32
    %c0_i32_0 = arith.constant 0 : i32
    %c0_i32_1 = arith.constant 0 : i32
    return %c0_i32, %c0_i32_0 : i32, i32
  }
  func.func @transform_2(%arg0: i32) -> (i32, i32) {
    %c0_i32 = arith.constant 0 : i32
    %c0_i32_0 = arith.constant 0 : i32
    return %arg0, %c0_i32 : i32, i32
  }
  func.func @transform_3(%arg0: i32) -> (i32, i32) {
    %c0_i32 = arith.constant 0 : i32
    %c0_i32_0 = arith.constant 0 : i32
    %c0_i32_1 = arith.constant 0 : i32
    return %c0_i32, %c0_i32_0 : i32, i32
  }
  func.func @transform_4(%arg0: i32) -> (i32, i32) {
    %c0_i32 = arith.constant 0 : i32
    %c0_i32_0 = arith.constant 0 : i32
    %c0_i32_1 = arith.constant 0 : i32
    return %c0_i32, %c0_i32_0 : i32, i32
  }
  func.func @transform_5(%arg0: i32) -> (i32, i32) {
    %c0_i32 = arith.constant 0 : i32
    %c0_i32_0 = arith.constant 0 : i32
    %c0_i32_1 = arith.constant 0 : i32
    return %c0_i32, %c0_i32_0 : i32, i32
  }
  func.func @transform_6(%arg0: i32) -> (i32, i32) {
    %c0_i32 = arith.constant 0 : i32
    %c0_i32_0 = arith.constant 0 : i32
    return %arg0, %c0_i32 : i32, i32
  }
}

</mosaic_0001>

<sc_bundles>
// kernel: kernel.5.cloned.1.call-start
scs
__scs_entry_jumppad:
0x0: {  	(pc) =	sbr.rel $0x88, $3  }
0x1: {  	(tag) =	ssettag $0x0;
	lr =	simm.s32 $0x1  }
0x2: {  	[smem:$0x3F98] =	sst lr;
	_ =	strace $0xD0000000  }
0x3: {  	_ = 	snop  }
0x4: {  	_ = 	snop  }
0x5: {  	_ = 	snop  }
0x6: {  	_ = 	snop  }
0x7: {  	_ = 	snop  }
__scs_overlays_trampoline_lowered:
0x8: {  	[smem:$0x3FA7] =	sst s0  }
0x9: {  	[smem:$0x3FA8] =	sst s1  }
0xa: {  	[smem:$0x3FA9] =	sst s2  }
0xb: {  	[smem:$0x3FAA] =	sst s3  }
0xc: {  	[smem:$0x3FAB] =	sst s4  }
0xd: {  	[smem:$0x3FAC] =	sst s5  }
0xe: {  	[smem:$0x3FAD] =	sst s6  }
0xf: {  	[smem:$0x3FAE] =	sst s7  }
0x10: {  	[smem:$0x3FAF] =	sst s8  }
0x11: {  	[smem:$0x3FB0] =	sst s9;
	s0 =	simm.s32 @!p0 $0x0  }
0x12: {  	s1 =	sld [smem:$0x3F96];
	s0 =	simm.s32 @p0 $0x1  }
0x13: {  	[smem:$0x3FB1] =	sst s0;
	s0 =	simm.s32 @!p1 $0x0  }
0x14: {  	s2 =	sld [smem:$0x3F95];
	s0 =	simm.s32 @p1 $0x1  }
0x15: {  	[smem:$0x3FB2] =	sst s0;
	s0 =	simm.s32 @!p2 $0x0  }
0x16: {  	s3 =	sld [smem:$0x3FDB];
	s0 =	simm.s32 @p2 $0x1  }
0x17: {  	s4 =	simm.s32 $0x1BF5;
	[smem:$0x3FB4] =	sst s0  }
0x18: {  	s0 =	sld [smem:$0x3F97];
	_ =	swait.ge [sflag:s4], $0x0  }
0x19: {  	s7 =	sld [smem:$0x3F98]  }
0x1a: {  	s8 =	sadd.s32 $0xFFFFE003, lr  }
0x1b: {  	s9 =	sadd.s32 $0xFFFFFEF7, lr;
	s5 =	simm.s32 $0xFFFFFFFF;
	p2 =	slt.u32 s8, $0xFFFFF086  }
0x1c: {  	p1 =	slt.u32 s9, $0xF7A;
	s5 =	simm.s32 @!p2 $0x0  }
0x1d: {  	s5 =	simm.s32 @p1 $0x1;
	p0 =	seq.s32 s7, s2  }
0x1e: {  	s7 =	smul.u32 @!p0 $0xF7A, s2;
	p2 =	seq.s32 @!p0 s5, $0x0  }
0x1f: {  	s9 =	smul.u32 $0xF7A, s1;
	s8 =	simm.s32 @!p0 $0x1BF5;
	p2 =	por !p2, p0  }
0x20: {  	[sflag:s8] =	ssyncset.s32 @!p0 $0xFFFFF086;
	s6 =	sadd.s32 @!p0 s3, s7;
	s7 =	simm.s32 @!p0 $0x108  }
0x21: {  	s3 =	sadd.s32 s3, s9;
	s6 =	sadd.s32 @!p0 $0x88, s6;
	s7 =	simm.s32 @p2 $0x1082  }
0x22: {  	[simem:s7], [sflag:s8] =	dma.local @!p0 [hbm:s6], $0xF7A  }
0x23: {  	s9 =	sor.u32 $0xD0000000, s2;
	s6 =	simm.s32 $0x108;
	_ =	swait.ge @!p0 [sflag:s8], $0x0  }
0x24: {  	s3 =	sadd.s32 $0x88, s3;
	s6 =	simm.s32 @!p1 $0x1082;
	[sflag:s4] =	ssyncset.s32 $0xFFFFF086  }
0x25: {  	[simem:s6], [sflag:s4] =	dma.local [hbm:s3], $0xF7A  }
0x26: {  	[smem:$0x3F98] =	sst s1;
	(tag) =	ssettag s2;
	_ =	strace s9  }
0x27: {  	s1 =	sld [smem:$0x3FA8]  }
0x28: {  	s2 =	sld [smem:$0x3FA9]  }
0x29: {  	s4 =	sld [smem:$0x3FAB]  }
0x2a: {  	p0 =	seq.s32 s5, $0x0;
	s5 =	sld [smem:$0x3FAC]  }
0x2b: {  	s6 =	sld [smem:$0x3FAD]  }
0x2c: {  	s7 =	sld [smem:$0x3FAE]  }
0x2d: {  	s3 =	simm.s32 $0x108;
	s8 =	sld [smem:$0x3FAF]  }
0x2e: {  	s3 =	simm.s32 @!p0 $0x1082;
	s9 =	sld [smem:$0x3FB0]  }
0x2f: {  	lr =	sadd.s32 s0, s3;
	s0 =	sld [smem:$0x3FA7]  }
0x30: {  	s3 =	sld [smem:$0x3FAA]  }
0x31: {  	[smem:$0x3FB3] =	sst s10  }
0x32: {  	s10 =	sld [smem:$0x3FB1];
	_ =	sdelay $0x3  }
0x33: {  	p0 =	seq.s32 s10, $0x1;
	s10 =	sld [smem:$0x3FB3];
	_ =	sdelay $0x3  }
0x34: {  	[smem:$0x3FB3] =	sst s10  }
0x35: {  	s10 =	sld [smem:$0x3FB2];
	_ =	sdelay $0x3  }
0x36: {  	p1 =	seq.s32 s10, $0x1;
	s10 =	sld [smem:$0x3FB3];
	_ =	sdelay $0x3  }
0x37: {  	[smem:$0x3FB3] =	sst s10  }
0x38: {  	s10 =	sld [smem:$0x3FB4]  }
0x39: {  	_ = 	snop;
	(pc) =	sbr.ind lr, $3  }
0x3a: {  	_ = 	snop  }
0x3b: {  	_ = 	snop  }
0x3c: {  	p2 =	seq.s32 s10, $0x1;
	s10 =	sld [smem:$0x3FB3]  }
0x3d: {  	_ =	shalt  }
0x3e: {  	_ =	shalt  }
0x3f: {  	_ =	shalt  }
0x40: {  	_ =	shalt  }
0x41: {  	_ =	shalt  }
0x42: {  	_ =	shalt  }
0x43: {  	_ =	shalt  }
0x44: {  	_ =	shalt  }
0x45: {  	_ =	shalt  }
0x46: {  	_ =	shalt  }
0x47: {  	_ =	shalt  }
0x48: {  	_ =	shalt  }
0x49: {  	_ =	shalt  }
0x4a: {  	_ =	shalt  }
0x4b: {  	_ =	shalt  }
0x4c: {  	_ =	shalt  }
0x4d: {  	_ =	shalt  }
0x4e: {  	_ =	shalt  }
0x4f: {  	_ =	shalt  }
0x50: {  	_ =	shalt  }
0x51: {  	_ =	shalt  }
0x52: {  	_ =	shalt  }
0x53: {  	_ =	shalt  }
0x54: {  	_ =	shalt  }
0x55: {  	_ =	shalt  }
0x56: {  	_ =	shalt  }
0x57: {  	_ =	shalt  }
0x58: {  	_ =	shalt  }
0x59: {  	_ =	shalt  }
0x5a: {  	_ =	shalt  }
0x5b: {  	_ =	shalt  }
0x5c: {  	_ =	shalt  }
0x5d: {  	_ =	shalt  }
0x5e: {  	_ =	shalt  }
0x5f: {  	_ =	shalt  }
0x60: {  	_ =	shalt  }
0x61: {  	_ =	shalt  }
0x62: {  	_ =	shalt  }
0x63: {  	_ =	shalt  }
0x64: {  	_ =	shalt  }
0x65: {  	_ =	shalt  }
0x66: {  	_ =	shalt  }
0x67: {  	_ =	shalt  }
0x68: {  	_ =	shalt  }
0x69: {  	_ =	shalt  }
0x6a: {  	_ =	shalt  }
0x6b: {  	_ =	shalt  }
0x6c: {  	_ =	shalt  }
0x6d: {  	_ =	shalt  }
0x6e: {  	_ =	shalt  }
0x6f: {  	_ =	shalt  }
0x70: {  	_ =	shalt  }
0x71: {  	_ =	shalt  }
0x72: {  	_ =	shalt  }
0x73: {  	_ =	shalt  }
0x74: {  	_ =	shalt  }
0x75: {  	_ =	shalt  }
0x76: {  	_ =	shalt  }
0x77: {  	_ =	shalt  }
0x78: {  	_ =	shalt  }
0x79: {  	_ =	shalt  }
0x7a: {  	_ =	shalt  }
0x7b: {  	_ =	shalt  }
0x7c: {  	_ =	shalt  }
0x7d: {  	_ =	shalt  }
0x7e: {  	_ =	shalt  }
0x7f: {  	_ =	shalt  }
0x80: {  	_ =	shalt  }
0x81: {  	_ =	shalt  }
0x82: {  	_ =	shalt  }
0x83: {  	_ =	shalt  }
0x84: {  	_ =	shalt  }
0x85: {  	_ =	shalt  }
0x86: {  	_ =	shalt  }
0x87: {  	_ =	shalt  }
.Lfunc_end0:
.L_simem_size_0:
called_computation_lowered:
.L_overlay_start_0:
0x88: {  	s2 =	sld [smem:$0x3FD9]  }
0x89: {  	s3 =	sld [smem:$0x3FFE];
	_ =	sdelay $0x1  }
0x8a: {  	s1 =	srdreg.scid  }
0x8b: {  	s0 =	sand.u32 $0x1, s1  }
0x8c: {  	s17 =	sshll.u32 s0, $0xA;
	s2 =	sadd.s32 s3, s2  }
0x8d: {  	s2 =	sadd.s32 s2, s17  }
0x8e: {  	[smem:$0x3FBF] =	sst s2  }
0x8f: {  	_ = 	snop  }
0x90: {  	s2 =	sld [smem:$0x3FD0];
	(tm) =	ssettm $0x1  }
0x91: {  	s18 =	sld [smem:$0x3FFB];
	_ =	sdelay $0x3  }
0x92: {  	_ =	strace s18  }
0x93: {  	s3 =	sld [smem:$0x3FFC];
	_ =	sdelay $0x3  }
0x94: {  	_ =	strace s3  }
0x95: {  	s3 =	sld [smem:$0x3FFD];
	_ =	sdelay $0x3  }
0x96: {  	_ =	strace s3  }
0x97: {  	_ =	strace $0x8FFFFFFF  }
0x98: {  	s19 =	sld [smem:$0x3FDB];
	_ =	sdelay $0x1  }
0x99: {  	s4 =	simm.s32 $_scs_section_size  }
0x9a: {  	s5 =	simm.s32 $_size__tile_overlayer_lowered;
	s6 =	simm.s32 $_tile_overlayer_lowered  }
0x9b: {  	s22 =	simm.s32 $0x1BFF;
	s21 =	sshll.u32 s6, $0x1;
	s3 =	sadd.s32 s4, s19  }
0x9c: {  	s7 =	simm.s32 $0x0;
	s20 =	sshll.u32 s5, $0x1;
	s5 =	sadd.s32 s21, s3  }
0x9d: {  	[timem:s7], [sflag:s22] =	dma.local [hbm:s5], s20  }
0x9e: {  	_ =	swait.ge [sflag:s22], s20  }
0x9f: {  	s4 =	ssub.s32 $0x0, s20;
	[sflag:s22] =	ssyncset.done $0x0  }
0xa0: {  	[sflag:s22] =	ssyncadd.s32 s4;
	_ =	sdelay $0x1  }
0xa1: {  	s23 =	simm.s32 $0x1B8B  }
0xa2: {  	_ =	swait.ge [sflag:s23], $0x1  }
0xa3: {  	[sflag:s23] =	ssyncset.done $0x0  }
0xa4: {  	s25 =	simm.s32 $0x1B8E;
	s24 =	sld [smem:$0x3FFE];
	[sflag:s23] =	ssyncadd.s32 $0xFFFFFFFF  }
0xa5: {  	s26 =	simm.s32 $execute0_lowered;
	[smem:$0x3FD2] =	sst s25  }
0xa6: {  	s5 =	sshll.u32 s26, $0x1;
	_ =	strace $0x80000046;
	[dreg:$0x1] =	wrdreg $0xFFFFFFFF  }
0xa7: {  	s28 =	simm.s32 $_size_execute0_lowered;
	s3 =	sadd.s32 s3, s5;
	[dreg:$0x0] =	wrdreg $0x0  }
0xa8: {  	s5 =	sshll.u32 s28, $0x1;
	[dreg:$0x2] =	wrdreg s3  }
0xa9: {  	[dreg:$0x3] =	wrdreg s5  }
0xaa: {  	[dreg:$0x4] =	wrdreg $0xC0  }
0xab: {  	_ =	task [dreg:s7], $0x5FFFF  }
0xac: {  	[dreg:$0x1] =	wrdreg $0xFFFFFFFF  }
0xad: {  	[dreg:$0x0] =	wrdreg $0x60  }
0xae: {  	[dreg:$0x2] =	wrdreg s2  }
0xaf: {  	[dreg:$0x3] =	wrdreg s24  }
0xb0: {  	[dreg:$0x4] =	wrdreg $0x9  }
0xb1: {  	_ =	task.clear_ibuf [dreg:s7], $0x5FFFF;
	_ =	strace $0x90000046  }
0xb2: {  	s29 =	simm.s32 $0x9;
	_ =	strace $0x80000048  }
0xb3: {  	_ =	swait.ge [sflag:s29], $0x1  }
0xb4: {  	[sflag:s29] =	ssyncadd.s32 $0xFFFFFFFF  }
0xb5: {  	_ =	strace $0x90000048  }
0xb6: {  	_ =	sfence  }
0xb7: {  	s30 =	sld [smem:$0x0];
	_ =	sdelay $0x2  }
0xb8: {  	s31 =	sshll.u32 s1, $0xD;
	s1 =	sshrl.u32 s1, $0x2  }
0xb9: {  	s3 =	sand.u32 $0x4000, s31;
	s1 =	sadd.s32 s1, s30  }
0xba: {  	s0 =	sor.u32 s3, s0;
	s1 =	sshll.u32 s1, $0x11  }
0xbb: {  	s0 =	sor.u32 s1, s0  }
0xbc: {  	s0 =	sadd.s32 $0x8F2B, s0  }
0xbd: {  	[sflag:s0] =	ssyncadd.remote.s32 $0x1  }
0xbe: {  	_ =	sfence.sel $0xFFFF  }
0xbf: {  	[dreg:$0x0] =	wrdreg $0xFFFFFFFF;
	(pc) =	sbr.abs _section_cstart, $3  }
0xc0: {  	[dreg:$0x1] =	wrdreg $0xFFFFFFFF  }
0xc1: {  	_ =	task.clear_ibuf [dreg:s7], $0x2FFFF;
	_ =	strace $0x9FFFFFFF  }
0xc2: {  	(tm) =	ssettm $0x7FFFFFFF  }
0xc3: {  	_ =	shalt  }
tec
execute0_lowered:
.L_overlay_start_1:
0x0: {  	(tag) =	ssettag $0x1  }
0x1: {  	s4 =	rddreg [dreg:$0x0];
	s1 =	srdreg.scid  }
0x2: {  	s0 =	stileid.u32;
	s3 =	rddreg [dreg:$0x1];
	s2 =	simm.s32 $0x0  }
0x3: {  	s8 =	simm.s32 $0x2800;
	s9 =	simm.s32 $0x1;
	s10 =	simm.s32 $0x0  }
0x4: {  	s5 =	sand.u32 $0x1, s1;
	s6 =	sshll.u32 s0, $0x1;
	s1 =	rddreg [dreg:$0x2]  }
0x5: {  	[smem:$0x7FF] =	sst s2;
	s6 =	sor.u32 s5, s6;
	s5 =	ssub.s32 $0x2, s5  }
0x6: {  	s3 =	sadd.s32 $0x1400, s3;
	s6 =	smul.u32 $0x500, s6;
	s7 =	sshrl.u32 s5, $0x1  }
0x7: {  	_ =	strace $0x80000047;
	s5 =	ssub.s32 s5, s7;
	s7 =	simm.s32 $0x80  }
0x8: {  	v0 =	vimm.f32 $1.000000000e+00;
	s4 =	sadd.s32 s4, s6;
	s5 =	smax.u32 s5, $0x1;
	s6 =	simm.s32 $0x2  }
.LBB2_1:
0x9: {  	[tilespmem:$0x2800] =	vst v0  }
0xa: {  	[tilespmem:$0x2810] =	vst v0  }
0xb: {  	[tilespmem:$0x2820] =	vst v0  }
0xc: {  	[tilespmem:$0x2830] =	vst v0  }
0xd: {  	[tilespmem:$0x2840] =	vst v0  }
0xe: {  	[tilespmem:$0x2850] =	vst v0  }
0xf: {  	[tilespmem:$0x2860] =	vst v0  }
0x10: {  	[tilespmem:$0x2870] =	vst v0  }
0x11: {  	[tilespmem:s2], [sflag:$0x2] =	stream.linear.gather [hbm4b:s4+s2], $0x2800, $0x38;
	[tilespmem:$0x2880] =	vst v63  }
0x12: {  	_ =	swait.ge [sflag:s6], $0x2800  }
0x13: {  	[sflag:s6] =	ssyncset.done $0x0  }
0x14: {  	s11 =	simm.s32 $0x0;
	[sflag:s6] =	ssyncadd.s32 $0xFFFFD800  }
0x15: {  	[hbm4b:s3+s7] =	stream.indirect.scatter [tilespmem:s8], [sflag:$0x1], $0x1, s11, s7, $0xb8;
	[tilespmem:$0x2880] =	vst v63  }
0x16: {  	s12 =	simm.s32 $0x80  }
0x17: {  	[hbm4b:s3+s7] =	stream.indirect.scatter [tilespmem:s8], [sflag:$0x1], $0x1, s12, s7, $0xb8;
	[tilespmem:$0x2880] =	vst v63  }
0x18: {  	s13 =	simm.s32 $0x100  }
0x19: {  	[hbm4b:s3+s7] =	stream.indirect.scatter [tilespmem:s8], [sflag:$0x1], $0x1, s13, s7, $0xb8;
	[tilespmem:$0x2880] =	vst v63  }
0x1a: {  	s14 =	simm.s32 $0x180  }
0x1b: {  	[hbm4b:s3+s7] =	stream.indirect.scatter [tilespmem:s8], [sflag:$0x1], $0x1, s14, s7, $0xb8;
	[tilespmem:$0x2880] =	vst v63  }
0x1c: {  	s15 =	simm.s32 $0x200  }
0x1d: {  	[hbm4b:s3+s7] =	stream.indirect.scatter [tilespmem:s8], [sflag:$0x1], $0x1, s15, s7, $0xb8;
	[tilespmem:$0x2880] =	vst v63  }
0x1e: {  	s16 =	simm.s32 $0x280  }
0x1f: {  	[hbm4b:s3+s7] =	stream.indirect.scatter [tilespmem:s8], [sflag:$0x1], $0x1, s16, s7, $0xb8;
	[tilespmem:$0x2880] =	vst v63  }
0x20: {  	s17 =	simm.s32 $0x300  }
0x21: {  	[hbm4b:s3+s7] =	stream.indirect.scatter [tilespmem:s8], [sflag:$0x1], $0x1, s17, s7, $0xb8;
	[tilespmem:$0x2880] =	vst v63  }
0x22: {  	s18 =	simm.s32 $0x380  }
0x23: {  	[hbm4b:s3+s7] =	stream.indirect.scatter [tilespmem:s8], [sflag:$0x1], $0x1, s18, s7, $0xb8;
	[tilespmem:$0x2880] =	vst v63  }
0x24: {  	s19 =	simm.s32 $0x400  }
0x25: {  	[hbm4b:s3+s7] =	stream.indirect.scatter [tilespmem:s8], [sflag:$0x1], $0x1, s19, s7, $0xb8;
	[tilespmem:$0x2880] =	vst v63  }
0x26: {  	s20 =	simm.s32 $0x480  }
0x27: {  	[hbm4b:s3+s7] =	stream.indirect.scatter [tilespmem:s8], [sflag:$0x1], $0x1, s20, s7, $0xb8;
	[tilespmem:$0x2880] =	vst v63  }
0x28: {  	s21 =	simm.s32 $0x500  }
0x29: {  	[hbm4b:s3+s7] =	stream.indirect.scatter [tilespmem:s8], [sflag:$0x1], $0x1, s21, s7, $0xb8;
	[tilespmem:$0x2880] =	vst v63  }
0x2a: {  	s22 =	simm.s32 $0x580  }
0x2b: {  	[hbm4b:s3+s7] =	stream.indirect.scatter [tilespmem:s8], [sflag:$0x1], $0x1, s22, s7, $0xb8;
	[tilespmem:$0x2880] =	vst v63  }
0x2c: {  	s23 =	simm.s32 $0x600  }
0x2d: {  	[hbm4b:s3+s7] =	stream.indirect.scatter [tilespmem:s8], [sflag:$0x1], $0x1, s23, s7, $0xb8;
	[tilespmem:$0x2880] =	vst v63  }
0x2e: {  	s24 =	simm.s32 $0x680  }
0x2f: {  	[hbm4b:s3+s7] =	stream.indirect.scatter [tilespmem:s8], [sflag:$0x1], $0x1, s24, s7, $0xb8;
	[tilespmem:$0x2880] =	vst v63  }
0x30: {  	s25 =	simm.s32 $0x700  }
0x31: {  	[hbm4b:s3+s7] =	stream.indirect.scatter [tilespmem:s8], [sflag:$0x1], $0x1, s25, s7, $0xb8;
	[tilespmem:$0x2880] =	vst v63  }
0x32: {  	s26 =	simm.s32 $0x780  }
0x33: {  	[hbm4b:s3+s7] =	stream.indirect.scatter [tilespmem:s8], [sflag:$0x1], $0x1, s26, s7, $0xb8;
	[tilespmem:$0x2880] =	vst v63  }
0x34: {  	s28 =	simm.s32 $0x800  }
0x35: {  	[hbm4b:s3+s7] =	stream.indirect.scatter [tilespmem:s8], [sflag:$0x1], $0x1, s28, s7, $0xb8;
	[tilespmem:$0x2880] =	vst v63  }
0x36: {  	s29 =	simm.s32 $0x880  }
0x37: {  	[hbm4b:s3+s7] =	stream.indirect.scatter [tilespmem:s8], [sflag:$0x1], $0x1, s29, s7, $0xb8;
	[tilespmem:$0x2880] =	vst v63  }
0x38: {  	s30 =	simm.s32 $0x900  }
0x39: {  	[hbm4b:s3+s7] =	stream.indirect.scatter [tilespmem:s8], [sflag:$0x1], $0x1, s30, s7, $0xb8;
	[tilespmem:$0x2880] =	vst v63  }
0x3a: {  	s31 =	simm.s32 $0x980  }
0x3b: {  	[hbm4b:s3+s7] =	stream.indirect.scatter [tilespmem:s8], [sflag:$0x1], $0x1, s31, s7, $0xb8;
	[tilespmem:$0x2880] =	vst v63  }
0x3c: {  	_ =	swait.ge [sflag:s9], $0x80  }
0x3d: {  	[sflag:s9] =	ssyncset.done $0x0  }
0x3e: {  	[sflag:s9] =	ssyncadd.s32 $0xFFFFFF80  }
0x3f: {  	_ =	swait.ge [sflag:s9], $0x80  }
0x40: {  	[sflag:s9] =	ssyncset.done $0x0  }
0x41: {  	[sflag:s9] =	ssyncadd.s32 $0xFFFFFF80  }
0x42: {  	_ =	swait.ge [sflag:s9], $0x80  }
0x43: {  	[sflag:s9] =	ssyncset.done $0x0  }
0x44: {  	[sflag:s9] =	ssyncadd.s32 $0xFFFFFF80  }
0x45: {  	_ =	swait.ge [sflag:s9], $0x80  }
0x46: {  	[sflag:s9] =	ssyncset.done $0x0  }
0x47: {  	[sflag:s9] =	ssyncadd.s32 $0xFFFFFF80  }
0x48: {  	_ =	swait.ge [sflag:s9], $0x80  }
0x49: {  	[sflag:s9] =	ssyncset.done $0x0  }
0x4a: {  	[sflag:s9] =	ssyncadd.s32 $0xFFFFFF80  }
0x4b: {  	_ =	swait.ge [sflag:s9], $0x80  }
0x4c: {  	[sflag:s9] =	ssyncset.done $0x0  }
0x4d: {  	[sflag:s9] =	ssyncadd.s32 $0xFFFFFF80  }
0x4e: {  	_ =	swait.ge [sflag:s9], $0x80  }
0x4f: {  	[sflag:s9] =	ssyncset.done $0x0  }
0x50: {  	[sflag:s9] =	ssyncadd.s32 $0xFFFFFF80  }
0x51: {  	_ =	swait.ge [sflag:s9], $0x80  }
0x52: {  	[sflag:s9] =	ssyncset.done $0x0  }
0x53: {  	[sflag:s9] =	ssyncadd.s32 $0xFFFFFF80  }
0x54: {  	_ =	swait.ge [sflag:s9], $0x80  }
0x55: {  	[sflag:s9] =	ssyncset.done $0x0  }
0x56: {  	[sflag:s9] =	ssyncadd.s32 $0xFFFFFF80  }
0x57: {  	_ =	swait.ge [sflag:s9], $0x80  }
0x58: {  	[sflag:s9] =	ssyncset.done $0x0  }
0x59: {  	[sflag:s9] =	ssyncadd.s32 $0xFFFFFF80  }
0x5a: {  	_ =	swait.ge [sflag:s9], $0x80  }
0x5b: {  	[sflag:s9] =	ssyncset.done $0x0  }
0x5c: {  	[sflag:s9] =	ssyncadd.s32 $0xFFFFFF80  }
0x5d: {  	_ =	swait.ge [sflag:s9], $0x80  }
0x5e: {  	[sflag:s9] =	ssyncset.done $0x0  }
0x5f: {  	[sflag:s9] =	ssyncadd.s32 $0xFFFFFF80  }
0x60: {  	_ =	swait.ge [sflag:s9], $0x80  }
0x61: {  	[sflag:s9] =	ssyncset.done $0x0  }
0x62: {  	[sflag:s9] =	ssyncadd.s32 $0xFFFFFF80  }
0x63: {  	_ =	swait.ge [sflag:s9], $0x80  }
0x64: {  	[sflag:s9] =	ssyncset.done $0x0  }
0x65: {  	[sflag:s9] =	ssyncadd.s32 $0xFFFFFF80  }
0x66: {  	_ =	swait.ge [sflag:s9], $0x80  }
0x67: {  	[sflag:s9] =	ssyncset.done $0x0  }
0x68: {  	[sflag:s9] =	ssyncadd.s32 $0xFFFFFF80  }
0x69: {  	_ =	swait.ge [sflag:s9], $0x80  }
0x6a: {  	[sflag:s9] =	ssyncset.done $0x0  }
0x6b: {  	[sflag:s9] =	ssyncadd.s32 $0xFFFFFF80  }
0x6c: {  	_ =	swait.ge [sflag:s9], $0x80  }
0x6d: {  	[sflag:s9] =	ssyncset.done $0x0  }
0x6e: {  	[sflag:s9] =	ssyncadd.s32 $0xFFFFFF80  }
0x6f: {  	_ =	swait.ge [sflag:s9], $0x80  }
0x70: {  	[sflag:s9] =	ssyncset.done $0x0  }
0x71: {  	[sflag:s9] =	ssyncadd.s32 $0xFFFFFF80  }
0x72: {  	_ =	swait.ge [sflag:s9], $0x80  }
0x73: {  	[sflag:s9] =	ssyncset.done $0x0  }
0x74: {  	[sflag:s9] =	ssyncadd.s32 $0xFFFFFF80  }
0x75: {  	_ =	swait.ge [sflag:s9], $0x80  }
0x76: {  	s11 =	simm.s32 $0x2800;
	s14 =	simm.s32 $0x5000;
	[sflag:s9] =	ssyncset.done $0x0  }
.LBB2_2:
0x77: {  	s13 =	sshra.s32 s11, $0x2  }
0x78: {  	[sflag:s9] =	ssyncadd.s32 $0xFFFFFF80;
	s11 =	smov.u32 s14;
	s12 =	sadd.s32 $0x2800, s14  }
0x79: {  	[hbm4b:s3+s7] =	stream.indirect.scatter [tilespmem:s8], [sflag:$0x1], $0x1, s13, s7, $0xb8;
	[tilespmem:$0x2880] =	vst v63  }
0x7a: {  	p0 =	sne.s32 s14, $0x7800;
	s14 =	sadd.s32 $0x80, s13  }
0x7b: {  	[hbm4b:s3+s7] =	stream.indirect.scatter [tilespmem:s8], [sflag:$0x1], $0x1, s14, s7, $0xb8;
	[tilespmem:$0x2880] =	vst v63  }
0x7c: {  	s14 =	sadd.s32 $0x100, s13  }
0x7d: {  	[hbm4b:s3+s7] =	stream.indirect.scatter [tilespmem:s8], [sflag:$0x1], $0x1, s14, s7, $0xb8;
	[tilespmem:$0x2880] =	vst v63  }
0x7e: {  	s14 =	sadd.s32 $0x180, s13  }
0x7f: {  	[hbm4b:s3+s7] =	stream.indirect.scatter [tilespmem:s8], [sflag:$0x1], $0x1, s14, s7, $0xb8;
	[tilespmem:$0x2880] =	vst v63  }
0x80: {  	s14 =	sadd.s32 $0x200, s13  }
0x81: {  	[hbm4b:s3+s7] =	stream.indirect.scatter [tilespmem:s8], [sflag:$0x1], $0x1, s14, s7, $0xb8;
	[tilespmem:$0x2880] =	vst v63  }
0x82: {  	s14 =	sadd.s32 $0x280, s13  }
0x83: {  	[hbm4b:s3+s7] =	stream.indirect.scatter [tilespmem:s8], [sflag:$0x1], $0x1, s14, s7, $0xb8;
	[tilespmem:$0x2880] =	vst v63  }
0x84: {  	s14 =	sadd.s32 $0x300, s13  }
0x85: {  	[hbm4b:s3+s7] =	stream.indirect.scatter [tilespmem:s8], [sflag:$0x1], $0x1, s14, s7, $0xb8;
	[tilespmem:$0x2880] =	vst v63  }
0x86: {  	s14 =	sadd.s32 $0x380, s13  }
0x87: {  	[hbm4b:s3+s7] =	stream.indirect.scatter [tilespmem:s8], [sflag:$0x1], $0x1, s14, s7, $0xb8;
	[tilespmem:$0x2880] =	vst v63  }
0x88: {  	s14 =	sadd.s32 $0x400, s13  }
0x89: {  	[hbm4b:s3+s7] =	stream.indirect.scatter [tilespmem:s8], [sflag:$0x1], $0x1, s14, s7, $0xb8;
	[tilespmem:$0x2880] =	vst v63  }
0x8a: {  	s14 =	sadd.s32 $0x480, s13  }
0x8b: {  	[hbm4b:s3+s7] =	stream.indirect.scatter [tilespmem:s8], [sflag:$0x1], $0x1, s14, s7, $0xb8;
	[tilespmem:$0x2880] =	vst v63  }
0x8c: {  	s14 =	sadd.s32 $0x500, s13  }
0x8d: {  	[hbm4b:s3+s7] =	stream.indirect.scatter [tilespmem:s8], [sflag:$0x1], $0x1, s14, s7, $0xb8;
	[tilespmem:$0x2880] =	vst v63  }
0x8e: {  	s14 =	sadd.s32 $0x580, s13  }
0x8f: {  	[hbm4b:s3+s7] =	stream.indirect.scatter [tilespmem:s8], [sflag:$0x1], $0x1, s14, s7, $0xb8;
	[tilespmem:$0x2880] =	vst v63  }
0x90: {  	s14 =	sadd.s32 $0x600, s13  }
0x91: {  	[hbm4b:s3+s7] =	stream.indirect.scatter [tilespmem:s8], [sflag:$0x1], $0x1, s14, s7, $0xb8;
	[tilespmem:$0x2880] =	vst v63  }
0x92: {  	s14 =	sadd.s32 $0x680, s13  }
0x93: {  	[hbm4b:s3+s7] =	stream.indirect.scatter [tilespmem:s8], [sflag:$0x1], $0x1, s14, s7, $0xb8;
	[tilespmem:$0x2880] =	vst v63  }
0x94: {  	s14 =	sadd.s32 $0x700, s13  }
0x95: {  	[hbm4b:s3+s7] =	stream.indirect.scatter [tilespmem:s8], [sflag:$0x1], $0x1, s14, s7, $0xb8;
	[tilespmem:$0x2880] =	vst v63  }
0x96: {  	s14 =	sadd.s32 $0x780, s13  }
0x97: {  	[hbm4b:s3+s7] =	stream.indirect.scatter [tilespmem:s8], [sflag:$0x1], $0x1, s14, s7, $0xb8;
	[tilespmem:$0x2880] =	vst v63  }
0x98: {  	s14 =	sadd.s32 $0x800, s13  }
0x99: {  	[hbm4b:s3+s7] =	stream.indirect.scatter [tilespmem:s8], [sflag:$0x1], $0x1, s14, s7, $0xb8;
	[tilespmem:$0x2880] =	vst v63  }
0x9a: {  	s14 =	sadd.s32 $0x880, s13  }
0x9b: {  	[hbm4b:s3+s7] =	stream.indirect.scatter [tilespmem:s8], [sflag:$0x1], $0x1, s14, s7, $0xb8;
	[tilespmem:$0x2880] =	vst v63  }
0x9c: {  	s14 =	sadd.s32 $0x900, s13  }
0x9d: {  	[hbm4b:s3+s7] =	stream.indirect.scatter [tilespmem:s8], [sflag:$0x1], $0x1, s14, s7, $0xb8;
	[tilespmem:$0x2880] =	vst v63  }
0x9e: {  	s13 =	sadd.s32 $0x980, s13  }
0x9f: {  	[hbm4b:s3+s7] =	stream.indirect.scatter [tilespmem:s8], [sflag:$0x1], $0x1, s13, s7, $0xb8;
	[tilespmem:$0x2880] =	vst v63  }
0xa0: {  	_ =	swait.ge [sflag:s9], $0x80  }
0xa1: {  	[sflag:s9] =	ssyncset.done $0x0  }
0xa2: {  	[sflag:s9] =	ssyncadd.s32 $0xFFFFFF80  }
0xa3: {  	_ =	swait.ge [sflag:s9], $0x80  }
0xa4: {  	[sflag:s9] =	ssyncset.done $0x0  }
0xa5: {  	[sflag:s9] =	ssyncadd.s32 $0xFFFFFF80  }
0xa6: {  	_ =	swait.ge [sflag:s9], $0x80  }
0xa7: {  	[sflag:s9] =	ssyncset.done $0x0  }
0xa8: {  	[sflag:s9] =	ssyncadd.s32 $0xFFFFFF80  }
0xa9: {  	_ =	swait.ge [sflag:s9], $0x80  }
0xaa: {  	[sflag:s9] =	ssyncset.done $0x0  }
0xab: {  	[sflag:s9] =	ssyncadd.s32 $0xFFFFFF80  }
0xac: {  	_ =	swait.ge [sflag:s9], $0x80  }
0xad: {  	[sflag:s9] =	ssyncset.done $0x0  }
0xae: {  	[sflag:s9] =	ssyncadd.s32 $0xFFFFFF80  }
0xaf: {  	_ =	swait.ge [sflag:s9], $0x80  }
0xb0: {  	[sflag:s9] =	ssyncset.done $0x0  }
0xb1: {  	[sflag:s9] =	ssyncadd.s32 $0xFFFFFF80  }
0xb2: {  	_ =	swait.ge [sflag:s9], $0x80  }
0xb3: {  	[sflag:s9] =	ssyncset.done $0x0  }
0xb4: {  	[sflag:s9] =	ssyncadd.s32 $0xFFFFFF80  }
0xb5: {  	_ =	swait.ge [sflag:s9], $0x80  }
0xb6: {  	[sflag:s9] =	ssyncset.done $0x0  }
0xb7: {  	[sflag:s9] =	ssyncadd.s32 $0xFFFFFF80  }
0xb8: {  	_ =	swait.ge [sflag:s9], $0x80  }
0xb9: {  	[sflag:s9] =	ssyncset.done $0x0  }
0xba: {  	[sflag:s9] =	ssyncadd.s32 $0xFFFFFF80  }
0xbb: {  	_ =	swait.ge [sflag:s9], $0x80  }
0xbc: {  	[sflag:s9] =	ssyncset.done $0x0  }
0xbd: {  	[sflag:s9] =	ssyncadd.s32 $0xFFFFFF80  }
0xbe: {  	_ =	swait.ge [sflag:s9], $0x80  }
0xbf: {  	[sflag:s9] =	ssyncset.done $0x0  }
0xc0: {  	[sflag:s9] =	ssyncadd.s32 $0xFFFFFF80  }
0xc1: {  	_ =	swait.ge [sflag:s9], $0x80  }
0xc2: {  	[sflag:s9] =	ssyncset.done $0x0  }
0xc3: {  	[sflag:s9] =	ssyncadd.s32 $0xFFFFFF80  }
0xc4: {  	_ =	swait.ge [sflag:s9], $0x80  }
0xc5: {  	[sflag:s9] =	ssyncset.done $0x0  }
0xc6: {  	[sflag:s9] =	ssyncadd.s32 $0xFFFFFF80  }
0xc7: {  	_ =	swait.ge [sflag:s9], $0x80  }
0xc8: {  	[sflag:s9] =	ssyncset.done $0x0  }
0xc9: {  	[sflag:s9] =	ssyncadd.s32 $0xFFFFFF80  }
0xca: {  	_ =	swait.ge [sflag:s9], $0x80  }
0xcb: {  	[sflag:s9] =	ssyncset.done $0x0  }
0xcc: {  	[sflag:s9] =	ssyncadd.s32 $0xFFFFFF80  }
0xcd: {  	_ =	swait.ge [sflag:s9], $0x80  }
0xce: {  	[sflag:s9] =	ssyncset.done $0x0  }
0xcf: {  	[sflag:s9] =	ssyncadd.s32 $0xFFFFFF80  }
0xd0: {  	_ =	swait.ge [sflag:s9], $0x80  }
0xd1: {  	[sflag:s9] =	ssyncset.done $0x0  }
0xd2: {  	[sflag:s9] =	ssyncadd.s32 $0xFFFFFF80  }
0xd3: {  	_ =	swait.ge [sflag:s9], $0x80  }
0xd4: {  	[sflag:s9] =	ssyncset.done $0x0  }
0xd5: {  	[sflag:s9] =	ssyncadd.s32 $0xFFFFFF80  }
.Ltmp0:
0xd6: {  	_ =	swait.ge [sflag:s9], $0x80;
	(pc) =	sbr.rel @p0 .LBB2_2-.Ltmp0, $4  }
0xd7: {  	[sflag:s9] =	ssyncset.done $0x0  }
0xd8: {  	[sflag:s9] =	ssyncadd.s32 $0xFFFFFF80  }
0xd9: {  	_ =	swait.ge [sflag:s9], $0x80  }
0xda: {  	s14 =	smov.u32 s12;
	[sflag:s9] =	ssyncset.done $0x0  }
0xdb: {  	s11 =	sshra.s32 s11, $0x2;
	[sflag:s9] =	ssyncadd.s32 $0xFFFFFF80  }
0xdc: {  	[hbm4b:s3+s7] =	stream.indirect.scatter [tilespmem:s8], [sflag:$0x1], $0x1, s11, s7, $0xb8;
	[tilespmem:$0x2880] =	vst v63  }
0xdd: {  	s12 =	sadd.s32 $0x80, s11  }
0xde: {  	[hbm4b:s3+s7] =	stream.indirect.scatter [tilespmem:s8], [sflag:$0x1], $0x1, s12, s7, $0xb8;
	[tilespmem:$0x2880] =	vst v63  }
0xdf: {  	s14 =	sadd.s32 $0x100, s11  }
0xe0: {  	[hbm4b:s3+s7] =	stream.indirect.scatter [tilespmem:s8], [sflag:$0x1], $0x1, s14, s7, $0xb8;
	[tilespmem:$0x2880] =	vst v63  }
0xe1: {  	s15 =	sadd.s32 $0x180, s11  }
0xe2: {  	[hbm4b:s3+s7] =	stream.indirect.scatter [tilespmem:s8], [sflag:$0x1], $0x1, s15, s7, $0xb8;
	[tilespmem:$0x2880] =	vst v63  }
0xe3: {  	s16 =	sadd.s32 $0x200, s11  }
0xe4: {  	[hbm4b:s3+s7] =	stream.indirect.scatter [tilespmem:s8], [sflag:$0x1], $0x1, s16, s7, $0xb8;
	[tilespmem:$0x2880] =	vst v63  }
0xe5: {  	s17 =	sadd.s32 $0x280, s11  }
0xe6: {  	[hbm4b:s3+s7] =	stream.indirect.scatter [tilespmem:s8], [sflag:$0x1], $0x1, s17, s7, $0xb8;
	[tilespmem:$0x2880] =	vst v63  }
0xe7: {  	s18 =	sadd.s32 $0x300, s11  }
0xe8: {  	[hbm4b:s3+s7] =	stream.indirect.scatter [tilespmem:s8], [sflag:$0x1], $0x1, s18, s7, $0xb8;
	[tilespmem:$0x2880] =	vst v63  }
0xe9: {  	s19 =	sadd.s32 $0x380, s11  }
0xea: {  	[hbm4b:s3+s7] =	stream.indirect.scatter [tilespmem:s8], [sflag:$0x1], $0x1, s19, s7, $0xb8;
	[tilespmem:$0x2880] =	vst v63  }
0xeb: {  	s20 =	sadd.s32 $0x400, s11  }
0xec: {  	[hbm4b:s3+s7] =	stream.indirect.scatter [tilespmem:s8], [sflag:$0x1], $0x1, s20, s7, $0xb8;
	[tilespmem:$0x2880] =	vst v63  }
0xed: {  	s21 =	sadd.s32 $0x480, s11  }
0xee: {  	[hbm4b:s3+s7] =	stream.indirect.scatter [tilespmem:s8], [sflag:$0x1], $0x1, s21, s7, $0xb8;
	[tilespmem:$0x2880] =	vst v63  }
0xef: {  	s22 =	sadd.s32 $0x500, s11  }
0xf0: {  	[hbm4b:s3+s7] =	stream.indirect.scatter [tilespmem:s8], [sflag:$0x1], $0x1, s22, s7, $0xb8;
	[tilespmem:$0x2880] =	vst v63  }
0xf1: {  	s23 =	sadd.s32 $0x580, s11  }
0xf2: {  	[hbm4b:s3+s7] =	stream.indirect.scatter [tilespmem:s8], [sflag:$0x1], $0x1, s23, s7, $0xb8;
	[tilespmem:$0x2880] =	vst v63  }
0xf3: {  	s24 =	sadd.s32 $0x600, s11  }
0xf4: {  	[hbm4b:s3+s7] =	stream.indirect.scatter [tilespmem:s8], [sflag:$0x1], $0x1, s24, s7, $0xb8;
	[tilespmem:$0x2880] =	vst v63  }
0xf5: {  	s25 =	sadd.s32 $0x680, s11  }
0xf6: {  	[hbm4b:s3+s7] =	stream.indirect.scatter [tilespmem:s8], [sflag:$0x1], $0x1, s25, s7, $0xb8;
	[tilespmem:$0x2880] =	vst v63  }
0xf7: {  	s26 =	sadd.s32 $0x700, s11  }
0xf8: {  	[hbm4b:s3+s7] =	stream.indirect.scatter [tilespmem:s8], [sflag:$0x1], $0x1, s26, s7, $0xb8;
	[tilespmem:$0x2880] =	vst v63  }
0xf9: {  	s28 =	sadd.s32 $0x780, s11  }
0xfa: {  	[hbm4b:s3+s7] =	stream.indirect.scatter [tilespmem:s8], [sflag:$0x1], $0x1, s28, s7, $0xb8;
	[tilespmem:$0x2880] =	vst v63  }
0xfb: {  	s29 =	sadd.s32 $0x800, s11  }
0xfc: {  	[hbm4b:s3+s7] =	stream.indirect.scatter [tilespmem:s8], [sflag:$0x1], $0x1, s29, s7, $0xb8;
	[tilespmem:$0x2880] =	vst v63  }
0xfd: {  	s30 =	sadd.s32 $0x880, s11  }
0xfe: {  	[hbm4b:s3+s7] =	stream.indirect.scatter [tilespmem:s8], [sflag:$0x1], $0x1, s30, s7, $0xb8;
	[tilespmem:$0x2880] =	vst v63  }
0xff: {  	s31 =	sadd.s32 $0x900, s11  }
0x100: {  	[hbm4b:s3+s7] =	stream.indirect.scatter [tilespmem:s8], [sflag:$0x1], $0x1, s31, s7, $0xb8;
	[tilespmem:$0x2880] =	vst v63  }
0x101: {  	s11 =	sadd.s32 $0x980, s11  }
0x102: {  	[hbm4b:s3+s7] =	stream.indirect.scatter [tilespmem:s8], [sflag:$0x1], $0x1, s11, s7, $0xb8;
	[tilespmem:$0x2880] =	vst v63  }
0x103: {  	_ =	swait.ge [sflag:s9], $0x80  }
0x104: {  	[sflag:s9] =	ssyncset.done $0x0  }
0x105: {  	[sflag:s9] =	ssyncadd.s32 $0xFFFFFF80  }
0x106: {  	_ =	swait.ge [sflag:s9], $0x80  }
0x107: {  	[sflag:s9] =	ssyncset.done $0x0  }
0x108: {  	[sflag:s9] =	ssyncadd.s32 $0xFFFFFF80  }
0x109: {  	_ =	swait.ge [sflag:s9], $0x80  }
0x10a: {  	[sflag:s9] =	ssyncset.done $0x0  }
0x10b: {  	[sflag:s9] =	ssyncadd.s32 $0xFFFFFF80  }
0x10c: {  	_ =	swait.ge [sflag:s9], $0x80  }
0x10d: {  	[sflag:s9] =	ssyncset.done $0x0  }
0x10e: {  	[sflag:s9] =	ssyncadd.s32 $0xFFFFFF80  }
0x10f: {  	_ =	swait.ge [sflag:s9], $0x80  }
0x110: {  	[sflag:s9] =	ssyncset.done $0x0  }
0x111: {  	[sflag:s9] =	ssyncadd.s32 $0xFFFFFF80  }
0x112: {  	_ =	swait.ge [sflag:s9], $0x80  }
0x113: {  	[sflag:s9] =	ssyncset.done $0x0  }
0x114: {  	[sflag:s9] =	ssyncadd.s32 $0xFFFFFF80  }
0x115: {  	_ =	swait.ge [sflag:s9], $0x80  }
0x116: {  	[sflag:s9] =	ssyncset.done $0x0  }
0x117: {  	[sflag:s9] =	ssyncadd.s32 $0xFFFFFF80  }
0x118: {  	_ =	swait.ge [sflag:s9], $0x80  }
0x119: {  	[sflag:s9] =	ssyncset.done $0x0  }
0x11a: {  	[sflag:s9] =	ssyncadd.s32 $0xFFFFFF80  }
0x11b: {  	_ =	swait.ge [sflag:s9], $0x80  }
0x11c: {  	[sflag:s9] =	ssyncset.done $0x0  }
0x11d: {  	[sflag:s9] =	ssyncadd.s32 $0xFFFFFF80  }
0x11e: {  	_ =	swait.ge [sflag:s9], $0x80  }
0x11f: {  	[sflag:s9] =	ssyncset.done $0x0  }
0x120: {  	[sflag:s9] =	ssyncadd.s32 $0xFFFFFF80  }
0x121: {  	_ =	swait.ge [sflag:s9], $0x80  }
0x122: {  	[sflag:s9] =	ssyncset.done $0x0  }
0x123: {  	[sflag:s9] =	ssyncadd.s32 $0xFFFFFF80  }
0x124: {  	_ =	swait.ge [sflag:s9], $0x80  }
0x125: {  	[sflag:s9] =	ssyncset.done $0x0  }
0x126: {  	[sflag:s9] =	ssyncadd.s32 $0xFFFFFF80  }
0x127: {  	_ =	swait.ge [sflag:s9], $0x80  }
0x128: {  	[sflag:s9] =	ssyncset.done $0x0  }
0x129: {  	[sflag:s9] =	ssyncadd.s32 $0xFFFFFF80  }
0x12a: {  	_ =	swait.ge [sflag:s9], $0x80  }
0x12b: {  	[sflag:s9] =	ssyncset.done $0x0  }
0x12c: {  	[sflag:s9] =	ssyncadd.s32 $0xFFFFFF80  }
0x12d: {  	_ =	swait.ge [sflag:s9], $0x80  }
0x12e: {  	[sflag:s9] =	ssyncset.done $0x0  }
0x12f: {  	[sflag:s9] =	ssyncadd.s32 $0xFFFFFF80  }
0x130: {  	_ =	swait.ge [sflag:s9], $0x80  }
0x131: {  	[sflag:s9] =	ssyncset.done $0x0  }
0x132: {  	[sflag:s9] =	ssyncadd.s32 $0xFFFFFF80  }
0x133: {  	_ =	swait.ge [sflag:s9], $0x80  }
0x134: {  	[sflag:s9] =	ssyncset.done $0x0  }
0x135: {  	[sflag:s9] =	ssyncadd.s32 $0xFFFFFF80  }
0x136: {  	_ =	swait.ge [sflag:s9], $0x80  }
0x137: {  	[sflag:s9] =	ssyncset.done $0x0  }
0x138: {  	s10 =	sadd.s32 $0x1, s10;
	[sflag:s9] =	ssyncadd.s32 $0xFFFFFF80  }
0x139: {  	p0 =	sne.s32 s10, s5;
	_ =	swait.ge [sflag:s9], $0x80  }
.Ltmp1:
0x13a: {  	[sflag:s9] =	ssyncset.done $0x0;
	(pc) =	sbr.rel @p0 .LBB2_1-.Ltmp1, $4  }
0x13b: {  	[sflag:s9] =	ssyncadd.s32 $0xFFFFFF80  }
0x13c: {  	_ =	swait.ge [sflag:s9], $0x80  }
0x13d: {  	[sflag:s9] =	ssyncset.done $0x0  }
0x13e: {  	[sflag:s9] =	ssyncadd.s32 $0xFFFFFF80  }
0x13f: {  	_ =	sfence.sel $0x180000  }
0x140: {  	[bflag:$0x0] =	sbarrier.arrive $0xFFFF  }
0x141: {  	p0 =	sne.s32 s0, $0x0;
	_ =	strace $0x90000047  }
0x142: {  	s0 =	sadd.s32 @!p0 $0x100000, s1;
	[bflag:$0x2] =	sbarrier.arrive $0xFFFF  }
0x143: {  	[sflag:s0] =	ssyncadd.tile.s32 @!p0 $0x1;
	_ =	shalt  }
.Lfunc_end2:
_tile_overlayer_lowered:
.L_overlay_start_2:
0x144: {  	(tag) =	ssettag $0x2  }
0x145: {  	s0 =	rddreg [dreg:$0x0];
	s2 =	stileid.u32  }
0x146: {  	s1 =	rddreg [dreg:$0x1];
	p0 =	sne.s32 s2, $0x0  }
0x147: {  	s3 =	rddreg [dreg:$0x2];
	[bflag:$0x3] =	sbarrier.arrive $0xFFFF;
	s2 =	simm.s32 @!p0 $0x1C02  }
0x148: {  	[timem:s3], [sflag:s2] =	dma.local @!p0 [hbm:s0], s1  }
0x149: {  	s0 =	simm.s32 @!p0 $0x2  }
0x14a: {  	_ =	swait.ge @!p0 [sflag:s0], s1  }
0x14b: {  	s1 =	ssub.s32 @!p0 $0x0, s1;
	[sflag:s0] =	ssyncset.done @!p0 $0x0  }
0x14c: {  	[sflag:s0] =	ssyncadd.s32 @!p0 s1  }
0x14d: {  	[bflag:$0x3] =	sbarrier.arrive $0xFFFF  }
0x14e: {  	_ =	shalt  }

</sc_bundles>
